<compile_context>
chip_gen: v7x
topology: tpu7x:2x2x1
jax: 0.10.2.dev20260603
libtpu: 0.0.44.dev20260713+nightly
codegen_flags: <defaults>
</compile_context>

<pallas_src>
import functools

import numpy as np
import jax
import jax.numpy as jnp
from jax import lax
from jax.experimental import pallas as pl
from jax.experimental.pallas import tpu as pltpu
from jax.experimental.pallas import tpu_sc as plsc

_EMB = 64
_SEQ = 50
_BATCH = 16384
_NPARAM = 10000
_B = _BATCH * _SEQ
_NW = 32
_PER_W = _B // _NW
_W = 800
_NCHUNK = _PER_W // _W
_SUB = 80
_NSUB = _W // _SUB
_SENT_BLK = 128
_TC_GRID = _BATCH // _SENT_BLK

_PERM = np.array([(j % 2) * 25 + j // 2 for j in range(_SEQ)], dtype=np.int32)


def _pos_table():
    pos = np.arange(_SEQ, dtype=np.float64)[:, None]
    dim = np.arange(_EMB // 2, dtype=np.float64)[None, :]
    theta = pos / (_NPARAM ** (2.0 * dim / _EMB))
    pe = np.zeros((_SEQ, _EMB), dtype=np.float64)
    pe[:, 0::2] = np.sin(theta)
    pe[:, 1::2] = np.cos(theta)
    return pe.astype(np.float32)


_POS = _pos_table()


def _sc_gather(idx_flat, table):
    mesh = plsc.VectorSubcoreMesh(
        core_axis_name="c", subcore_axis_name="s", num_cores=2, num_subcores=16
    )

    @functools.partial(
        pl.kernel,
        out_type=jax.ShapeDtypeStruct((_B, _EMB), jnp.float32),
        mesh=mesh,
        scratch_types=[
            pltpu.VMEM((_W,), jnp.int32),
            pltpu.VMEM((_W,), jnp.int32),
            pltpu.VMEM((_W, _EMB), jnp.float32),
            pltpu.VMEM((_W, _EMB), jnp.float32),
            pltpu.SemaphoreType.DMA,
            pltpu.SemaphoreType.DMA,
        ],
        compiler_params=pltpu.CompilerParams(use_tc_tiling_on_sc=False),
    )
    def k(idx_hbm, tab_hbm, g_hbm, idx_v0, idx_v1, rows_v0, rows_v1, gsem, osem):
        wid = lax.axis_index("s") * 2 + lax.axis_index("c")
        base0 = wid * _PER_W
        bufs = ((idx_v0, rows_v0), (idx_v1, rows_v1))

        def fire(chunk, idx_v, rows_v):
            base = base0 + chunk * _W
            pltpu.sync_copy(idx_hbm.at[pl.ds(base, _W)], idx_v)
            for j in range(_NSUB):
                pltpu.async_copy(
                    tab_hbm.at[idx_v.at[pl.ds(j * _SUB, _SUB)]],
                    rows_v.at[pl.ds(j * _SUB, _SUB)],
                    gsem,
                )

        def wait_gathers(idx_v, rows_v):
            for j in range(_NSUB):
                pltpu.make_async_copy(
                    tab_hbm.at[idx_v.at[pl.ds(j * _SUB, _SUB)]],
                    rows_v.at[pl.ds(j * _SUB, _SUB)],
                    gsem,
                ).wait()

        def out_start(chunk, rows_v):
            base = base0 + chunk * _W
            pltpu.async_copy(rows_v, g_hbm.at[pl.ds(base, _W)], osem)

        def out_wait(rows_v):
            pltpu.make_async_copy(
                rows_v, g_hbm.at[pl.ds(base0, _W)], osem
            ).wait()

        fire(0, *bufs[0])
        half = _NCHUNK // 2

        @pl.loop(0, half)
        def _chunk_loop(t):
            c0 = 2 * t

            @pl.when(t > 0)
            def _():
                out_wait(bufs[1][1])

            fire(c0 + 1, *bufs[1])
            wait_gathers(*bufs[0])
            out_start(c0, bufs[0][1])

            @pl.when(t < half - 1)
            def _():
                out_wait(bufs[0][1])
                fire(c0 + 2, *bufs[0])

            wait_gathers(*bufs[1])
            out_start(c0 + 1, bufs[1][1])

        out_wait(bufs[0][1])
        out_wait(bufs[1][1])

    return k(idx_flat, table)


def _tc_finish(g, pos_pair):
    def body(g_ref, p_ref, o_ref):
        z = g_ref[...].reshape(_SENT_BLK, _SEQ // 2, 128) * 8.0 + p_ref[...][None, :, :]
        for q in range(_SEQ // 2):
            zq_t = z[:, q, :].T
            o_ref[q] = zq_t[:_EMB, :]
            o_ref[q + _SEQ // 2] = zq_t[_EMB:, :]

    rows_blk = _SENT_BLK * _SEQ // 2
    return pl.pallas_call(
        body,
        out_shape=jax.ShapeDtypeStruct((_SEQ, _EMB, _BATCH), jnp.float32),
        grid=(_TC_GRID,),
        in_specs=[
            pl.BlockSpec((rows_blk, 128), lambda i: (i, 0)),
            pl.BlockSpec((_SEQ // 2, 128), lambda i: (0, 0)),
        ],
        out_specs=pl.BlockSpec((_SEQ, _EMB, _SENT_BLK), lambda i: (0, 0, i)),
    )(g, pos_pair)


def _tc_linearize(tab_t):
    out_rows = 500032
    blk_cols = 10240
    blk_rows = blk_cols // 2
    grid = (out_rows + blk_rows - 1) // blk_rows

    def body(t_ref, o_ref):
        x = t_ref[...]
        for j in range(blk_cols // 256):
            x2 = jnp.concatenate(
                [x[:, j * 256 : j * 256 + 128], x[:, j * 256 + 128 : j * 256 + 256]],
                axis=0,
            )
            o_ref[j * 128 : (j + 1) * 128, :] = x2.T

    return pl.pallas_call(
        body,
        out_shape=jax.ShapeDtypeStruct((500032, 128), jnp.float32),
        grid=(grid,),
        in_specs=[pl.BlockSpec((_EMB, blk_cols), lambda i: (0, i))],
        out_specs=pl.BlockSpec((blk_rows, 128), lambda i: (i, 0)),
    )(tab_t)


def _tc_mask(tok):
    def body(t_ref, m_ref):
        m_ref[...] = t_ref[...] != 0

    return pl.pallas_call(
        body,
        out_shape=jax.ShapeDtypeStruct((_BATCH, _SEQ), jnp.bool_),
        grid=(16,),
        in_specs=[pl.BlockSpec((_BATCH // 16, _SEQ), lambda i: (i, 0))],
        out_specs=pl.BlockSpec((_BATCH // 16, _SEQ), lambda i: (i, 0)),
    )(tok)


def kernel(tokenized_sentences, embedding_table):
    tok = tokenized_sentences.astype(jnp.int32)
    t = tok[:, _PERM].reshape(_B)
    idx_flat = (t & ~jnp.int32(255)) + ((t & 127) << 1) + ((t >> 7) & 1)
    tab_lin = _tc_linearize(embedding_table.T).reshape(1000064, _EMB)
    g = _sc_gather(idx_flat, tab_lin).reshape(_B // 2, 128)
    pos_pair = np.concatenate([_POS[: _SEQ // 2], _POS[_SEQ // 2 :]], axis=1)
    enc_t = _tc_finish(g, jnp.asarray(pos_pair))
    enc = jnp.transpose(enc_t, (2, 0, 1))
    mask = _tc_mask(tok)
    return enc, mask

# --- scband reference (transcript-rebuilt; emitter-appended) ---
"""Pipeline reference for scband-embedder-and-encoder-base-38903813767194 (READ-ONLY COPY).

The authoritative reference and input builder live on the scoring server;
editing this copy changes nothing except your own understanding.
"""

import jax, jax.numpy as jnp
import numpy as np

DICT_SIZE = 1000000
EMB = 64
MAX_LEN = 50
NPARAM = 10000
BATCH = 16384
SEQ = 50


def _positional_encodings():
    pos = np.arange(MAX_LEN, dtype=np.float64)[:, None]          # [L, 1]
    dim = np.arange(EMB // 2, dtype=np.float64)[None, :]         # [1, E/2]
    theta = pos / (NPARAM ** (2.0 * dim / EMB))                  # [L, E/2]
    pe = np.zeros((MAX_LEN, EMB), dtype=np.float64)
    pe[:, 0::2] = np.sin(theta)
    pe[:, 1::2] = np.cos(theta)
    return jnp.asarray(pe, dtype=jnp.float32)


def setup_inputs(seed: int = 0) -> dict:
    key = jax.random.key(seed)
    k1, k2 = jax.random.split(key)
    tokenized_sentences = jax.random.randint(k1, (BATCH, SEQ), 0, DICT_SIZE, dtype=jnp.int64 if jax.config.jax_enable_x64 else jnp.int32)
    embedding_table = jax.random.normal(k2, (DICT_SIZE, EMB), dtype=jnp.float32)
    return {"tokenized_sentences": tokenized_sentences, "embedding_table": embedding_table}


def reference(tokenized_sentences, embedding_table):
    # nn.Embedding lookup -> gather
    embeddings = jnp.take(embedding_table, tokenized_sentences, axis=0)   # [B, S, E]
    pos = _positional_encodings()[: tokenized_sentences.shape[1]]          # [S, E]
    # original computes this under torch.no_grad()
    encoded_embeddings = jax.lax.stop_gradient(
        embeddings * np.sqrt(EMB) + pos[None, :, :]
    )
    # generate_mask is abstract in the original; standard padding-mask implementation
    mask = tokenized_sentences != 0                                        # [B, S] bool (S == MAX_LEN)
    return (encoded_embeddings, mask)

if __name__ == "__main__":
    import jax
    _d = setup_inputs()
    print(jax.jit(kernel)(*tuple(_d.values())))

</pallas_src>

<mosaic_0001>
#map = affine_map<(d0, d1) -> (0)>
#map1 = affine_map<(d0, d1) -> (0, 0)>
module attributes {stable_mosaic.version = 14 : i64} {
  func.func @k(%arg0: i32, %arg1: i32, %arg2: memref<819200xi32, #tpu.memory_space<hbm>>, %arg3: memref<1000064x64xf32, #tpu.memory_space<hbm>>, %arg4: memref<819200x64xf32, #tpu.memory_space<hbm>>, %arg5: memref<800xi32, #tpu.memory_space<vmem>>, %arg6: memref<800xi32, #tpu.memory_space<vmem>>, %arg7: memref<800x64xf32, #tpu.memory_space<vmem>>, %arg8: memref<800x64xf32, #tpu.memory_space<vmem>>, %arg9: memref<!tpu.dma_semaphore, #tpu.memory_space<semaphore_mem>>, %arg10: memref<!tpu.dma_semaphore, #tpu.memory_space<semaphore_mem>>) attributes {dimension_semantics = [#tpu.dimension_semantics<core_parallel>, #tpu.dimension_semantics<subcore_parallel>], iteration_bounds = array<i64: 2, 16>, scalar_prefetch = 0 : i64, scratch_operands = 6 : i64, tpu.core_type = #tpu.core_type<sc_vector_subcore>, window_params = [{transform_indices = #map}, {transform_indices = #map1}, {transform_indices = #map1}]} {
    %mul3A = arith.constant 2 : i32
    %mul3A_0 = arith.muli %arg1, %mul3A : i32
    %add3A = arith.addi %mul3A_0, %arg0 : i32
    %mul3A_1 = arith.constant 25600 : i32
    %mul3A_2 = arith.muli %add3A, %mul3A_1 : i32
    %add3A_3 = arith.constant 0 : i32
    %add3A_4 = arith.addi %mul3A_2, %add3A_3 : i32
    "tpu.region"() ({
      %run_scoped3A = tpu.sem_alloc : memref<!tpu.dma_semaphore, #tpu.memory_space<semaphore_mem>>
      %dma_start3A_95 = tpu.memref_slice %arg2[%add3A_4] : memref<819200xi32, #tpu.memory_space<hbm>> -> memref<800xi32, #tpu.memory_space<hbm>>
      %dma_start3A_96 = tpu.memref_slice %arg2[%add3A_4] : memref<819200xi32, #tpu.memory_space<hbm>> -> memref<800xi32, #tpu.memory_space<hbm>>
      tpu.enqueue_dma source(%dma_start3A_96 : memref<800xi32, #tpu.memory_space<hbm>>) target(%arg5 : memref<800xi32, #tpu.memory_space<vmem>>) target_semaphore(%run_scoped3A : memref<!tpu.dma_semaphore, #tpu.memory_space<semaphore_mem>>)
      %dma_wait3A_97 = tpu.memref_slice %arg2[%add3A_4] : memref<819200xi32, #tpu.memory_space<hbm>> -> memref<800xi32, #tpu.memory_space<hbm>>
      %dma_wait3A_98 = tpu.memref_slice %arg2[%add3A_4] : memref<819200xi32, #tpu.memory_space<hbm>> -> memref<800xi32, #tpu.memory_space<hbm>>
      tpu.wait_dma2 semaphore(%run_scoped3A : memref<!tpu.dma_semaphore, #tpu.memory_space<semaphore_mem>>) src(%dma_wait3A_98 : memref<800xi32, #tpu.memory_space<hbm>>) dst(%arg5 : memref<800xi32, #tpu.memory_space<vmem>>)
      tpu.yield
    }) : () -> ()
    %dma_start3A = arith.constant 0 : i32
    %dma_start3A_5 = arith.constant 0 : i32
    %dma_start3A_6 = tpu.memref_slice %arg7[%dma_start3A, %dma_start3A_5] : memref<800x64xf32, #tpu.memory_space<vmem>> -> memref<80x64xf32, #tpu.memory_space<vmem>>
    %dma_start3A_7 = arith.constant 0 : i32
    %dma_start3A_8 = tpu.memref_slice %arg5[%dma_start3A_7] : memref<800xi32, #tpu.memory_space<vmem>> -> memref<80xi32, #tpu.memory_space<vmem>>
    %dma_start3A_9 = arith.constant 0 : i32
    %dma_start3A_10 = arith.constant 0 : i32
    %dma_start3A_11 = tpu.memref_slice %arg3[%dma_start3A_9, %dma_start3A_10] : memref<1000064x64xf32, #tpu.memory_space<hbm>> -> memref<1000064x64xf32, #tpu.memory_space<hbm>>
    tpu.enqueue_indirect_dma source(%dma_start3A_11 : memref<1000064x64xf32, #tpu.memory_space<hbm>>) target(%dma_start3A_6 : memref<80x64xf32, #tpu.memory_space<vmem>>) offsets(%dma_start3A_8 : memref<80xi32, #tpu.memory_space<vmem>>) semaphore(%arg9 : memref<!tpu.dma_semaphore, #tpu.memory_space<semaphore_mem>>)
    %dma_start3A_12 = arith.constant 80 : i32
    %dma_start3A_13 = arith.constant 0 : i32
    %dma_start3A_14 = tpu.memref_slice %arg7[%dma_start3A_12, %dma_start3A_13] : memref<800x64xf32, #tpu.memory_space<vmem>> -> memref<80x64xf32, #tpu.memory_space<vmem>>
    %dma_start3A_15 = arith.constant 80 : i32
    %dma_start3A_16 = tpu.memref_slice %arg5[%dma_start3A_15] : memref<800xi32, #tpu.memory_space<vmem>> -> memref<80xi32, #tpu.memory_space<vmem>>
    %dma_start3A_17 = arith.constant 0 : i32
    %dma_start3A_18 = arith.constant 0 : i32
    %dma_start3A_19 = tpu.memref_slice %arg3[%dma_start3A_17, %dma_start3A_18] : memref<1000064x64xf32, #tpu.memory_space<hbm>> -> memref<1000064x64xf32, #tpu.memory_space<hbm>>
    tpu.enqueue_indirect_dma source(%dma_start3A_19 : memref<1000064x64xf32, #tpu.memory_space<hbm>>) target(%dma_start3A_14 : memref<80x64xf32, #tpu.memory_space<vmem>>) offsets(%dma_start3A_16 : memref<80xi32, #tpu.memory_space<vmem>>) semaphore(%arg9 : memref<!tpu.dma_semaphore, #tpu.memory_space<semaphore_mem>>)
    %dma_start3A_20 = arith.constant 160 : i32
    %dma_start3A_21 = arith.constant 0 : i32
    %dma_start3A_22 = tpu.memref_slice %arg7[%dma_start3A_20, %dma_start3A_21] : memref<800x64xf32, #tpu.memory_space<vmem>> -> memref<80x64xf32, #tpu.memory_space<vmem>>
    %dma_start3A_23 = arith.constant 160 : i32
    %dma_start3A_24 = tpu.memref_slice %arg5[%dma_start3A_23] : memref<800xi32, #tpu.memory_space<vmem>> -> memref<80xi32, #tpu.memory_space<vmem>>
    %dma_start3A_25 = arith.constant 0 : i32
    %dma_start3A_26 = arith.constant 0 : i32
    %dma_start3A_27 = tpu.memref_slice %arg3[%dma_start3A_25, %dma_start3A_26] : memref<1000064x64xf32, #tpu.memory_space<hbm>> -> memref<1000064x64xf32, #tpu.memory_space<hbm>>
    tpu.enqueue_indirect_dma source(%dma_start3A_27 : memref<1000064x64xf32, #tpu.memory_space<hbm>>) target(%dma_start3A_22 : memref<80x64xf32, #tpu.memory_space<vmem>>) offsets(%dma_start3A_24 : memref<80xi32, #tpu.memory_space<vmem>>) semaphore(%arg9 : memref<!tpu.dma_semaphore, #tpu.memory_space<semaphore_mem>>)
    %dma_start3A_28 = arith.constant 240 : i32
    %dma_start3A_29 = arith.constant 0 : i32
    %dma_start3A_30 = tpu.memref_slice %arg7[%dma_start3A_28, %dma_start3A_29] : memref<800x64xf32, #tpu.memory_space<vmem>> -> memref<80x64xf32, #tpu.memory_space<vmem>>
    %dma_start3A_31 = arith.constant 240 : i32
    %dma_start3A_32 = tpu.memref_slice %arg5[%dma_start3A_31] : memref<800xi32, #tpu.memory_space<vmem>> -> memref<80xi32, #tpu.memory_space<vmem>>
    %dma_start3A_33 = arith.constant 0 : i32
    %dma_start3A_34 = arith.constant 0 : i32
    %dma_start3A_35 = tpu.memref_slice %arg3[%dma_start3A_33, %dma_start3A_34] : memref<1000064x64xf32, #tpu.memory_space<hbm>> -> memref<1000064x64xf32, #tpu.memory_space<hbm>>
    tpu.enqueue_indirect_dma source(%dma_start3A_35 : memref<1000064x64xf32, #tpu.memory_space<hbm>>) target(%dma_start3A_30 : memref<80x64xf32, #tpu.memory_space<vmem>>) offsets(%dma_start3A_32 : memref<80xi32, #tpu.memory_space<vmem>>) semaphore(%arg9 : memref<!tpu.dma_semaphore, #tpu.memory_space<semaphore_mem>>)
    %dma_start3A_36 = arith.constant 320 : i32
    %dma_start3A_37 = arith.constant 0 : i32
    %dma_start3A_38 = tpu.memref_slice %arg7[%dma_start3A_36, %dma_start3A_37] : memref<800x64xf32, #tpu.memory_space<vmem>> -> memref<80x64xf32, #tpu.memory_space<vmem>>
    %dma_start3A_39 = arith.constant 320 : i32
    %dma_start3A_40 = tpu.memref_slice %arg5[%dma_start3A_39] : memref<800xi32, #tpu.memory_space<vmem>> -> memref<80xi32, #tpu.memory_space<vmem>>
    %dma_start3A_41 = arith.constant 0 : i32
    %dma_start3A_42 = arith.constant 0 : i32
    %dma_start3A_43 = tpu.memref_slice %arg3[%dma_start3A_41, %dma_start3A_42] : memref<1000064x64xf32, #tpu.memory_space<hbm>> -> memref<1000064x64xf32, #tpu.memory_space<hbm>>
    tpu.enqueue_indirect_dma source(%dma_start3A_43 : memref<1000064x64xf32, #tpu.memory_space<hbm>>) target(%dma_start3A_38 : memref<80x64xf32, #tpu.memory_space<vmem>>) offsets(%dma_start3A_40 : memref<80xi32, #tpu.memory_space<vmem>>) semaphore(%arg9 : memref<!tpu.dma_semaphore, #tpu.memory_space<semaphore_mem>>)
    %dma_start3A_44 = arith.constant 400 : i32
    %dma_start3A_45 = arith.constant 0 : i32
    %dma_start3A_46 = tpu.memref_slice %arg7[%dma_start3A_44, %dma_start3A_45] : memref<800x64xf32, #tpu.memory_space<vmem>> -> memref<80x64xf32, #tpu.memory_space<vmem>>
    %dma_start3A_47 = arith.constant 400 : i32
    %dma_start3A_48 = tpu.memref_slice %arg5[%dma_start3A_47] : memref<800xi32, #tpu.memory_space<vmem>> -> memref<80xi32, #tpu.memory_space<vmem>>
    %dma_start3A_49 = arith.constant 0 : i32
    %dma_start3A_50 = arith.constant 0 : i32
    %dma_start3A_51 = tpu.memref_slice %arg3[%dma_start3A_49, %dma_start3A_50] : memref<1000064x64xf32, #tpu.memory_space<hbm>> -> memref<1000064x64xf32, #tpu.memory_space<hbm>>
    tpu.enqueue_indirect_dma source(%dma_start3A_51 : memref<1000064x64xf32, #tpu.memory_space<hbm>>) target(%dma_start3A_46 : memref<80x64xf32, #tpu.memory_space<vmem>>) offsets(%dma_start3A_48 : memref<80xi32, #tpu.memory_space<vmem>>) semaphore(%arg9 : memref<!tpu.dma_semaphore, #tpu.memory_space<semaphore_mem>>)
    %dma_start3A_52 = arith.constant 480 : i32
    %dma_start3A_53 = arith.constant 0 : i32
    %dma_start3A_54 = tpu.memref_slice %arg7[%dma_start3A_52, %dma_start3A_53] : memref<800x64xf32, #tpu.memory_space<vmem>> -> memref<80x64xf32, #tpu.memory_space<vmem>>
    %dma_start3A_55 = arith.constant 480 : i32
    %dma_start3A_56 = tpu.memref_slice %arg5[%dma_start3A_55] : memref<800xi32, #tpu.memory_space<vmem>> -> memref<80xi32, #tpu.memory_space<vmem>>
    %dma_start3A_57 = arith.constant 0 : i32
    %dma_start3A_58 = arith.constant 0 : i32
    %dma_start3A_59 = tpu.memref_slice %arg3[%dma_start3A_57, %dma_start3A_58] : memref<1000064x64xf32, #tpu.memory_space<hbm>> -> memref<1000064x64xf32, #tpu.memory_space<hbm>>
    tpu.enqueue_indirect_dma source(%dma_start3A_59 : memref<1000064x64xf32, #tpu.memory_space<hbm>>) target(%dma_start3A_54 : memref<80x64xf32, #tpu.memory_space<vmem>>) offsets(%dma_start3A_56 : memref<80xi32, #tpu.memory_space<vmem>>) semaphore(%arg9 : memref<!tpu.dma_semaphore, #tpu.memory_space<semaphore_mem>>)
    %dma_start3A_60 = arith.constant 560 : i32
    %dma_start3A_61 = arith.constant 0 : i32
    %dma_start3A_62 = tpu.memref_slice %arg7[%dma_start3A_60, %dma_start3A_61] : memref<800x64xf32, #tpu.memory_space<vmem>> -> memref<80x64xf32, #tpu.memory_space<vmem>>
    %dma_start3A_63 = arith.constant 560 : i32
    %dma_start3A_64 = tpu.memref_slice %arg5[%dma_start3A_63] : memref<800xi32, #tpu.memory_space<vmem>> -> memref<80xi32, #tpu.memory_space<vmem>>
    %dma_start3A_65 = arith.constant 0 : i32
    %dma_start3A_66 = arith.constant 0 : i32
    %dma_start3A_67 = tpu.memref_slice %arg3[%dma_start3A_65, %dma_start3A_66] : memref<1000064x64xf32, #tpu.memory_space<hbm>> -> memref<1000064x64xf32, #tpu.memory_space<hbm>>
    tpu.enqueue_indirect_dma source(%dma_start3A_67 : memref<1000064x64xf32, #tpu.memory_space<hbm>>) target(%dma_start3A_62 : memref<80x64xf32, #tpu.memory_space<vmem>>) offsets(%dma_start3A_64 : memref<80xi32, #tpu.memory_space<vmem>>) semaphore(%arg9 : memref<!tpu.dma_semaphore, #tpu.memory_space<semaphore_mem>>)
    %dma_start3A_68 = arith.constant 640 : i32
    %dma_start3A_69 = arith.constant 0 : i32
    %dma_start3A_70 = tpu.memref_slice %arg7[%dma_start3A_68, %dma_start3A_69] : memref<800x64xf32, #tpu.memory_space<vmem>> -> memref<80x64xf32, #tpu.memory_space<vmem>>
    %dma_start3A_71 = arith.constant 640 : i32
    %dma_start3A_72 = tpu.memref_slice %arg5[%dma_start3A_71] : memref<800xi32, #tpu.memory_space<vmem>> -> memref<80xi32, #tpu.memory_space<vmem>>
    %dma_start3A_73 = arith.constant 0 : i32
    %dma_start3A_74 = arith.constant 0 : i32
    %dma_start3A_75 = tpu.memref_slice %arg3[%dma_start3A_73, %dma_start3A_74] : memref<1000064x64xf32, #tpu.memory_space<hbm>> -> memref<1000064x64xf32, #tpu.memory_space<hbm>>
    tpu.enqueue_indirect_dma source(%dma_start3A_75 : memref<1000064x64xf32, #tpu.memory_space<hbm>>) target(%dma_start3A_70 : memref<80x64xf32, #tpu.memory_space<vmem>>) offsets(%dma_start3A_72 : memref<80xi32, #tpu.memory_space<vmem>>) semaphore(%arg9 : memref<!tpu.dma_semaphore, #tpu.memory_space<semaphore_mem>>)
    %dma_start3A_76 = arith.constant 720 : i32
    %dma_start3A_77 = arith.constant 0 : i32
    %dma_start3A_78 = tpu.memref_slice %arg7[%dma_start3A_76, %dma_start3A_77] : memref<800x64xf32, #tpu.memory_space<vmem>> -> memref<80x64xf32, #tpu.memory_space<vmem>>
    %dma_start3A_79 = arith.constant 720 : i32
    %dma_start3A_80 = tpu.memref_slice %arg5[%dma_start3A_79] : memref<800xi32, #tpu.memory_space<vmem>> -> memref<80xi32, #tpu.memory_space<vmem>>
    %dma_start3A_81 = arith.constant 0 : i32
    %dma_start3A_82 = arith.constant 0 : i32
    %dma_start3A_83 = tpu.memref_slice %arg3[%dma_start3A_81, %dma_start3A_82] : memref<1000064x64xf32, #tpu.memory_space<hbm>> -> memref<1000064x64xf32, #tpu.memory_space<hbm>>
    tpu.enqueue_indirect_dma source(%dma_start3A_83 : memref<1000064x64xf32, #tpu.memory_space<hbm>>) target(%dma_start3A_78 : memref<80x64xf32, #tpu.memory_space<vmem>>) offsets(%dma_start3A_80 : memref<80xi32, #tpu.memory_space<vmem>>) semaphore(%arg9 : memref<!tpu.dma_semaphore, #tpu.memory_space<semaphore_mem>>)
    %scan3A = arith.constant 0 : i32
    %scan3A_84 = arith.constant 16 : i32
    %scan3A_85 = arith.addi %scan3A, %scan3A_84 : i32
    %scan3A_86 = arith.constant 1 : i32
    scf.for %scan3A_95 = %scan3A to %scan3A_85 step %scan3A_86  : i32 {
      %mul3A_96 = arith.constant 1 : i32
      %mul3A_97 = arith.muli %scan3A_95, %mul3A_96 : i32
      %add3A_98 = arith.constant 0 : i32
      %add3A_99 = arith.addi %add3A_98, %mul3A_97 : i32
      %mul3A_100 = arith.constant 2 : i32
      %mul3A_101 = arith.muli %mul3A_100, %add3A_99 : i32
      %gt3A = arith.constant 0 : i32
      %gt3A_102 = arith.cmpi sgt, %add3A_99, %gt3A : i32
      %convert_element_type3A = arith.extui %gt3A_102 : i1 to i32
      %cond3A = arith.constant 0 : i32
      %cond3A_103 = arith.cmpi ne, %convert_element_type3A, %cond3A : i32
      scf.if %cond3A_103 {
        %dma_wait3A_369 = arith.constant 0 : i32
        %dma_wait3A_370 = tpu.memref_slice %arg4[%mul3A_2, %dma_wait3A_369] : memref<819200x64xf32, #tpu.memory_space<hbm>> -> memref<800x64xf32, #tpu.memory_space<hbm>>
        %dma_wait3A_371 = arith.constant 0 : i32
        %dma_wait3A_372 = tpu.memref_slice %arg4[%mul3A_2, %dma_wait3A_371] : memref<819200x64xf32, #tpu.memory_space<hbm>> -> memref<800x64xf32, #tpu.memory_space<hbm>>
        tpu.wait_dma2 semaphore(%arg10 : memref<!tpu.dma_semaphore, #tpu.memory_space<semaphore_mem>>) src(%arg8 : memref<800x64xf32, #tpu.memory_space<vmem>>) dst(%dma_wait3A_372 : memref<800x64xf32, #tpu.memory_space<hbm>>)
      } else {
      }
      %add3A_104 = arith.constant 1 : i32
      %add3A_105 = arith.addi %mul3A_101, %add3A_104 : i32
      %mul3A_106 = arith.constant 800 : i32
      %mul3A_107 = arith.muli %add3A_105, %mul3A_106 : i32
      %add3A_108 = arith.addi %mul3A_2, %mul3A_107 : i32
      "tpu.region"() ({
        %run_scoped3A = tpu.sem_alloc : memref<!tpu.dma_semaphore, #tpu.memory_space<semaphore_mem>>
        %dma_start3A_369 = tpu.memref_slice %arg2[%add3A_108] : memref<819200xi32, #tpu.memory_space<hbm>> -> memref<800xi32, #tpu.memory_space<hbm>>
        %dma_start3A_370 = tpu.memref_slice %arg2[%add3A_108] : memref<819200xi32, #tpu.memory_space<hbm>> -> memref<800xi32, #tpu.memory_space<hbm>>
        tpu.enqueue_dma source(%dma_start3A_370 : memref<800xi32, #tpu.memory_space<hbm>>) target(%arg6 : memref<800xi32, #tpu.memory_space<vmem>>) target_semaphore(%run_scoped3A : memref<!tpu.dma_semaphore, #tpu.memory_space<semaphore_mem>>)
        %dma_wait3A_371 = tpu.memref_slice %arg2[%add3A_108] : memref<819200xi32, #tpu.memory_space<hbm>> -> memref<800xi32, #tpu.memory_space<hbm>>
        %dma_wait3A_372 = tpu.memref_slice %arg2[%add3A_108] : memref<819200xi32, #tpu.memory_space<hbm>> -> memref<800xi32, #tpu.memory_space<hbm>>
        tpu.wait_dma2 semaphore(%run_scoped3A : memref<!tpu.dma_semaphore, #tpu.memory_space<semaphore_mem>>) src(%dma_wait3A_372 : memref<800xi32, #tpu.memory_space<hbm>>) dst(%arg6 : memref<800xi32, #tpu.memory_space<vmem>>)
        tpu.yield
      }) : () -> ()
      %dma_start3A_109 = arith.constant 0 : i32
      %dma_start3A_110 = arith.constant 0 : i32
      %dma_start3A_111 = tpu.memref_slice %arg8[%dma_start3A_109, %dma_start3A_110] : memref<800x64xf32, #tpu.memory_space<vmem>> -> memref<80x64xf32, #tpu.memory_space<vmem>>
      %dma_start3A_112 = arith.constant 0 : i32
      %dma_start3A_113 = tpu.memref_slice %arg6[%dma_start3A_112] : memref<800xi32, #tpu.memory_space<vmem>> -> memref<80xi32, #tpu.memory_space<vmem>>
      %dma_start3A_114 = arith.constant 0 : i32
      %dma_start3A_115 = arith.constant 0 : i32
      %dma_start3A_116 = tpu.memref_slice %arg3[%dma_start3A_114, %dma_start3A_115] : memref<1000064x64xf32, #tpu.memory_space<hbm>> -> memref<1000064x64xf32, #tpu.memory_space<hbm>>
      tpu.enqueue_indirect_dma source(%dma_start3A_116 : memref<1000064x64xf32, #tpu.memory_space<hbm>>) target(%dma_start3A_111 : memref<80x64xf32, #tpu.memory_space<vmem>>) offsets(%dma_start3A_113 : memref<80xi32, #tpu.memory_space<vmem>>) semaphore(%arg9 : memref<!tpu.dma_semaphore, #tpu.memory_space<semaphore_mem>>)
      %dma_start3A_117 = arith.constant 80 : i32
      %dma_start3A_118 = arith.constant 0 : i32
      %dma_start3A_119 = tpu.memref_slice %arg8[%dma_start3A_117, %dma_start3A_118] : memref<800x64xf32, #tpu.memory_space<vmem>> -> memref<80x64xf32, #tpu.memory_space<vmem>>
      %dma_start3A_120 = arith.constant 80 : i32
      %dma_start3A_121 = tpu.memref_slice %arg6[%dma_start3A_120] : memref<800xi32, #tpu.memory_space<vmem>> -> memref<80xi32, #tpu.memory_space<vmem>>
      %dma_start3A_122 = arith.constant 0 : i32
      %dma_start3A_123 = arith.constant 0 : i32
      %dma_start3A_124 = tpu.memref_slice %arg3[%dma_start3A_122, %dma_start3A_123] : memref<1000064x64xf32, #tpu.memory_space<hbm>> -> memref<1000064x64xf32, #tpu.memory_space<hbm>>
      tpu.enqueue_indirect_dma source(%dma_start3A_124 : memref<1000064x64xf32, #tpu.memory_space<hbm>>) target(%dma_start3A_119 : memref<80x64xf32, #tpu.memory_space<vmem>>) offsets(%dma_start3A_121 : memref<80xi32, #tpu.memory_space<vmem>>) semaphore(%arg9 : memref<!tpu.dma_semaphore, #tpu.memory_space<semaphore_mem>>)
      %dma_start3A_125 = arith.constant 160 : i32
      %dma_start3A_126 = arith.constant 0 : i32
      %dma_start3A_127 = tpu.memref_slice %arg8[%dma_start3A_125, %dma_start3A_126] : memref<800x64xf32, #tpu.memory_space<vmem>> -> memref<80x64xf32, #tpu.memory_space<vmem>>
      %dma_start3A_128 = arith.constant 160 : i32
      %dma_start3A_129 = tpu.memref_slice %arg6[%dma_start3A_128] : memref<800xi32, #tpu.memory_space<vmem>> -> memref<80xi32, #tpu.memory_space<vmem>>
      %dma_start3A_130 = arith.constant 0 : i32
      %dma_start3A_131 = arith.constant 0 : i32
      %dma_start3A_132 = tpu.memref_slice %arg3[%dma_start3A_130, %dma_start3A_131] : memref<1000064x64xf32, #tpu.memory_space<hbm>> -> memref<1000064x64xf32, #tpu.memory_space<hbm>>
      tpu.enqueue_indirect_dma source(%dma_start3A_132 : memref<1000064x64xf32, #tpu.memory_space<hbm>>) target(%dma_start3A_127 : memref<80x64xf32, #tpu.memory_space<vmem>>) offsets(%dma_start3A_129 : memref<80xi32, #tpu.memory_space<vmem>>) semaphore(%arg9 : memref<!tpu.dma_semaphore, #tpu.memory_space<semaphore_mem>>)
      %dma_start3A_133 = arith.constant 240 : i32
      %dma_start3A_134 = arith.constant 0 : i32
      %dma_start3A_135 = tpu.memref_slice %arg8[%dma_start3A_133, %dma_start3A_134] : memref<800x64xf32, #tpu.memory_space<vmem>> -> memref<80x64xf32, #tpu.memory_space<vmem>>
      %dma_start3A_136 = arith.constant 240 : i32
      %dma_start3A_137 = tpu.memref_slice %arg6[%dma_start3A_136] : memref<800xi32, #tpu.memory_space<vmem>> -> memref<80xi32, #tpu.memory_space<vmem>>
      %dma_start3A_138 = arith.constant 0 : i32
      %dma_start3A_139 = arith.constant 0 : i32
      %dma_start3A_140 = tpu.memref_slice %arg3[%dma_start3A_138, %dma_start3A_139] : memref<1000064x64xf32, #tpu.memory_space<hbm>> -> memref<1000064x64xf32, #tpu.memory_space<hbm>>
      tpu.enqueue_indirect_dma source(%dma_start3A_140 : memref<1000064x64xf32, #tpu.memory_space<hbm>>) target(%dma_start3A_135 : memref<80x64xf32, #tpu.memory_space<vmem>>) offsets(%dma_start3A_137 : memref<80xi32, #tpu.memory_space<vmem>>) semaphore(%arg9 : memref<!tpu.dma_semaphore, #tpu.memory_space<semaphore_mem>>)
      %dma_start3A_141 = arith.constant 320 : i32
      %dma_start3A_142 = arith.constant 0 : i32
      %dma_start3A_143 = tpu.memref_slice %arg8[%dma_start3A_141, %dma_start3A_142] : memref<800x64xf32, #tpu.memory_space<vmem>> -> memref<80x64xf32, #tpu.memory_space<vmem>>
      %dma_start3A_144 = arith.constant 320 : i32
      %dma_start3A_145 = tpu.memref_slice %arg6[%dma_start3A_144] : memref<800xi32, #tpu.memory_space<vmem>> -> memref<80xi32, #tpu.memory_space<vmem>>
      %dma_start3A_146 = arith.constant 0 : i32
      %dma_start3A_147 = arith.constant 0 : i32
      %dma_start3A_148 = tpu.memref_slice %arg3[%dma_start3A_146, %dma_start3A_147] : memref<1000064x64xf32, #tpu.memory_space<hbm>> -> memref<1000064x64xf32, #tpu.memory_space<hbm>>
      tpu.enqueue_indirect_dma source(%dma_start3A_148 : memref<1000064x64xf32, #tpu.memory_space<hbm>>) target(%dma_start3A_143 : memref<80x64xf32, #tpu.memory_space<vmem>>) offsets(%dma_start3A_145 : memref<80xi32, #tpu.memory_space<vmem>>) semaphore(%arg9 : memref<!tpu.dma_semaphore, #tpu.memory_space<semaphore_mem>>)
      %dma_start3A_149 = arith.constant 400 : i32
      %dma_start3A_150 = arith.constant 0 : i32
      %dma_start3A_151 = tpu.memref_slice %arg8[%dma_start3A_149, %dma_start3A_150] : memref<800x64xf32, #tpu.memory_space<vmem>> -> memref<80x64xf32, #tpu.memory_space<vmem>>
      %dma_start3A_152 = arith.constant 400 : i32
      %dma_start3A_153 = tpu.memref_slice %arg6[%dma_start3A_152] : memref<800xi32, #tpu.memory_space<vmem>> -> memref<80xi32, #tpu.memory_space<vmem>>
      %dma_start3A_154 = arith.constant 0 : i32
      %dma_start3A_155 = arith.constant 0 : i32
      %dma_start3A_156 = tpu.memref_slice %arg3[%dma_start3A_154, %dma_start3A_155] : memref<1000064x64xf32, #tpu.memory_space<hbm>> -> memref<1000064x64xf32, #tpu.memory_space<hbm>>
      tpu.enqueue_indirect_dma source(%dma_start3A_156 : memref<1000064x64xf32, #tpu.memory_space<hbm>>) target(%dma_start3A_151 : memref<80x64xf32, #tpu.memory_space<vmem>>) offsets(%dma_start3A_153 : memref<80xi32, #tpu.memory_space<vmem>>) semaphore(%arg9 : memref<!tpu.dma_semaphore, #tpu.memory_space<semaphore_mem>>)
      %dma_start3A_157 = arith.constant 480 : i32
      %dma_start3A_158 = arith.constant 0 : i32
      %dma_start3A_159 = tpu.memref_slice %arg8[%dma_start3A_157, %dma_start3A_158] : memref<800x64xf32, #tpu.memory_space<vmem>> -> memref<80x64xf32, #tpu.memory_space<vmem>>
      %dma_start3A_160 = arith.constant 480 : i32
      %dma_start3A_161 = tpu.memref_slice %arg6[%dma_start3A_160] : memref<800xi32, #tpu.memory_space<vmem>> -> memref<80xi32, #tpu.memory_space<vmem>>
      %dma_start3A_162 = arith.constant 0 : i32
      %dma_start3A_163 = arith.constant 0 : i32
      %dma_start3A_164 = tpu.memref_slice %arg3[%dma_start3A_162, %dma_start3A_163] : memref<1000064x64xf32, #tpu.memory_space<hbm>> -> memref<1000064x64xf32, #tpu.memory_space<hbm>>
      tpu.enqueue_indirect_dma source(%dma_start3A_164 : memref<1000064x64xf32, #tpu.memory_space<hbm>>) target(%dma_start3A_159 : memref<80x64xf32, #tpu.memory_space<vmem>>) offsets(%dma_start3A_161 : memref<80xi32, #tpu.memory_space<vmem>>) semaphore(%arg9 : memref<!tpu.dma_semaphore, #tpu.memory_space<semaphore_mem>>)
      %dma_start3A_165 = arith.constant 560 : i32
      %dma_start3A_166 = arith.constant 0 : i32
      %dma_start3A_167 = tpu.memref_slice %arg8[%dma_start3A_165, %dma_start3A_166] : memref<800x64xf32, #tpu.memory_space<vmem>> -> memref<80x64xf32, #tpu.memory_space<vmem>>
      %dma_start3A_168 = arith.constant 560 : i32
      %dma_start3A_169 = tpu.memref_slice %arg6[%dma_start3A_168] : memref<800xi32, #tpu.memory_space<vmem>> -> memref<80xi32, #tpu.memory_space<vmem>>
      %dma_start3A_170 = arith.constant 0 : i32
      %dma_start3A_171 = arith.constant 0 : i32
      %dma_start3A_172 = tpu.memref_slice %arg3[%dma_start3A_170, %dma_start3A_171] : memref<1000064x64xf32, #tpu.memory_space<hbm>> -> memref<1000064x64xf32, #tpu.memory_space<hbm>>
      tpu.enqueue_indirect_dma source(%dma_start3A_172 : memref<1000064x64xf32, #tpu.memory_space<hbm>>) target(%dma_start3A_167 : memref<80x64xf32, #tpu.memory_space<vmem>>) offsets(%dma_start3A_169 : memref<80xi32, #tpu.memory_space<vmem>>) semaphore(%arg9 : memref<!tpu.dma_semaphore, #tpu.memory_space<semaphore_mem>>)
      %dma_start3A_173 = arith.constant 640 : i32
      %dma_start3A_174 = arith.constant 0 : i32
      %dma_start3A_175 = tpu.memref_slice %arg8[%dma_start3A_173, %dma_start3A_174] : memref<800x64xf32, #tpu.memory_space<vmem>> -> memref<80x64xf32, #tpu.memory_space<vmem>>
      %dma_start3A_176 = arith.constant 640 : i32
      %dma_start3A_177 = tpu.memref_slice %arg6[%dma_start3A_176] : memref<800xi32, #tpu.memory_space<vmem>> -> memref<80xi32, #tpu.memory_space<vmem>>
      %dma_start3A_178 = arith.constant 0 : i32
      %dma_start3A_179 = arith.constant 0 : i32
      %dma_start3A_180 = tpu.memref_slice %arg3[%dma_start3A_178, %dma_start3A_179] : memref<1000064x64xf32, #tpu.memory_space<hbm>> -> memref<1000064x64xf32, #tpu.memory_space<hbm>>
      tpu.enqueue_indirect_dma source(%dma_start3A_180 : memref<1000064x64xf32, #tpu.memory_space<hbm>>) target(%dma_start3A_175 : memref<80x64xf32, #tpu.memory_space<vmem>>) offsets(%dma_start3A_177 : memref<80xi32, #tpu.memory_space<vmem>>) semaphore(%arg9 : memref<!tpu.dma_semaphore, #tpu.memory_space<semaphore_mem>>)
      %dma_start3A_181 = arith.constant 720 : i32
      %dma_start3A_182 = arith.constant 0 : i32
      %dma_start3A_183 = tpu.memref_slice %arg8[%dma_start3A_181, %dma_start3A_182] : memref<800x64xf32, #tpu.memory_space<vmem>> -> memref<80x64xf32, #tpu.memory_space<vmem>>
      %dma_start3A_184 = arith.constant 720 : i32
      %dma_start3A_185 = tpu.memref_slice %arg6[%dma_start3A_184] : memref<800xi32, #tpu.memory_space<vmem>> -> memref<80xi32, #tpu.memory_space<vmem>>
      %dma_start3A_186 = arith.constant 0 : i32
      %dma_start3A_187 = arith.constant 0 : i32
      %dma_start3A_188 = tpu.memref_slice %arg3[%dma_start3A_186, %dma_start3A_187] : memref<1000064x64xf32, #tpu.memory_space<hbm>> -> memref<1000064x64xf32, #tpu.memory_space<hbm>>
      tpu.enqueue_indirect_dma source(%dma_start3A_188 : memref<1000064x64xf32, #tpu.memory_space<hbm>>) target(%dma_start3A_183 : memref<80x64xf32, #tpu.memory_space<vmem>>) offsets(%dma_start3A_185 : memref<80xi32, #tpu.memory_space<vmem>>) semaphore(%arg9 : memref<!tpu.dma_semaphore, #tpu.memory_space<semaphore_mem>>)
      %dma_wait3A_189 = arith.constant 0 : i32
      %dma_wait3A_190 = arith.constant 0 : i32
      %dma_wait3A_191 = tpu.memref_slice %arg7[%dma_wait3A_189, %dma_wait3A_190] : memref<800x64xf32, #tpu.memory_space<vmem>> -> memref<80x64xf32, #tpu.memory_space<vmem>>
      %dma_wait3A_192 = arith.constant 0 : i32
      %dma_wait3A_193 = tpu.memref_slice %arg5[%dma_wait3A_192] : memref<800xi32, #tpu.memory_space<vmem>> -> memref<80xi32, #tpu.memory_space<vmem>>
      %dma_wait3A_194 = arith.constant 0 : i32
      %dma_wait3A_195 = arith.constant 0 : i32
      %dma_wait3A_196 = tpu.memref_slice %arg3[%dma_wait3A_194, %dma_wait3A_195] : memref<1000064x64xf32, #tpu.memory_space<hbm>> -> memref<1000064x64xf32, #tpu.memory_space<hbm>>
      tpu.wait_indirect_dma semaphore(%arg9 : memref<!tpu.dma_semaphore, #tpu.memory_space<semaphore_mem>>) src(%dma_wait3A_196 : memref<1000064x64xf32, #tpu.memory_space<hbm>>) dst(%dma_wait3A_191 : memref<80x64xf32, #tpu.memory_space<vmem>>)
      %dma_wait3A_197 = arith.constant 80 : i32
      %dma_wait3A_198 = arith.constant 0 : i32
      %dma_wait3A_199 = tpu.memref_slice %arg7[%dma_wait3A_197, %dma_wait3A_198] : memref<800x64xf32, #tpu.memory_space<vmem>> -> memref<80x64xf32, #tpu.memory_space<vmem>>
      %dma_wait3A_200 = arith.constant 80 : i32
      %dma_wait3A_201 = tpu.memref_slice %arg5[%dma_wait3A_200] : memref<800xi32, #tpu.memory_space<vmem>> -> memref<80xi32, #tpu.memory_space<vmem>>
      %dma_wait3A_202 = arith.constant 0 : i32
      %dma_wait3A_203 = arith.constant 0 : i32
      %dma_wait3A_204 = tpu.memref_slice %arg3[%dma_wait3A_202, %dma_wait3A_203] : memref<1000064x64xf32, #tpu.memory_space<hbm>> -> memref<1000064x64xf32, #tpu.memory_space<hbm>>
      tpu.wait_indirect_dma semaphore(%arg9 : memref<!tpu.dma_semaphore, #tpu.memory_space<semaphore_mem>>) src(%dma_wait3A_204 : memref<1000064x64xf32, #tpu.memory_space<hbm>>) dst(%dma_wait3A_199 : memref<80x64xf32, #tpu.memory_space<vmem>>)
      %dma_wait3A_205 = arith.constant 160 : i32
      %dma_wait3A_206 = arith.constant 0 : i32
      %dma_wait3A_207 = tpu.memref_slice %arg7[%dma_wait3A_205, %dma_wait3A_206] : memref<800x64xf32, #tpu.memory_space<vmem>> -> memref<80x64xf32, #tpu.memory_space<vmem>>
      %dma_wait3A_208 = arith.constant 160 : i32
      %dma_wait3A_209 = tpu.memref_slice %arg5[%dma_wait3A_208] : memref<800xi32, #tpu.memory_space<vmem>> -> memref<80xi32, #tpu.memory_space<vmem>>
      %dma_wait3A_210 = arith.constant 0 : i32
      %dma_wait3A_211 = arith.constant 0 : i32
      %dma_wait3A_212 = tpu.memref_slice %arg3[%dma_wait3A_210, %dma_wait3A_211] : memref<1000064x64xf32, #tpu.memory_space<hbm>> -> memref<1000064x64xf32, #tpu.memory_space<hbm>>
      tpu.wait_indirect_dma semaphore(%arg9 : memref<!tpu.dma_semaphore, #tpu.memory_space<semaphore_mem>>) src(%dma_wait3A_212 : memref<1000064x64xf32, #tpu.memory_space<hbm>>) dst(%dma_wait3A_207 : memref<80x64xf32, #tpu.memory_space<vmem>>)
      %dma_wait3A_213 = arith.constant 240 : i32
      %dma_wait3A_214 = arith.constant 0 : i32
      %dma_wait3A_215 = tpu.memref_slice %arg7[%dma_wait3A_213, %dma_wait3A_214] : memref<800x64xf32, #tpu.memory_space<vmem>> -> memref<80x64xf32, #tpu.memory_space<vmem>>
      %dma_wait3A_216 = arith.constant 240 : i32
      %dma_wait3A_217 = tpu.memref_slice %arg5[%dma_wait3A_216] : memref<800xi32, #tpu.memory_space<vmem>> -> memref<80xi32, #tpu.memory_space<vmem>>
      %dma_wait3A_218 = arith.constant 0 : i32
      %dma_wait3A_219 = arith.constant 0 : i32
      %dma_wait3A_220 = tpu.memref_slice %arg3[%dma_wait3A_218, %dma_wait3A_219] : memref<1000064x64xf32, #tpu.memory_space<hbm>> -> memref<1000064x64xf32, #tpu.memory_space<hbm>>
      tpu.wait_indirect_dma semaphore(%arg9 : memref<!tpu.dma_semaphore, #tpu.memory_space<semaphore_mem>>) src(%dma_wait3A_220 : memref<1000064x64xf32, #tpu.memory_space<hbm>>) dst(%dma_wait3A_215 : memref<80x64xf32, #tpu.memory_space<vmem>>)
      %dma_wait3A_221 = arith.constant 320 : i32
      %dma_wait3A_222 = arith.constant 0 : i32
      %dma_wait3A_223 = tpu.memref_slice %arg7[%dma_wait3A_221, %dma_wait3A_222] : memref<800x64xf32, #tpu.memory_space<vmem>> -> memref<80x64xf32, #tpu.memory_space<vmem>>
      %dma_wait3A_224 = arith.constant 320 : i32
      %dma_wait3A_225 = tpu.memref_slice %arg5[%dma_wait3A_224] : memref<800xi32, #tpu.memory_space<vmem>> -> memref<80xi32, #tpu.memory_space<vmem>>
      %dma_wait3A_226 = arith.constant 0 : i32
      %dma_wait3A_227 = arith.constant 0 : i32
      %dma_wait3A_228 = tpu.memref_slice %arg3[%dma_wait3A_226, %dma_wait3A_227] : memref<1000064x64xf32, #tpu.memory_space<hbm>> -> memref<1000064x64xf32, #tpu.memory_space<hbm>>
      tpu.wait_indirect_dma semaphore(%arg9 : memref<!tpu.dma_semaphore, #tpu.memory_space<semaphore_mem>>) src(%dma_wait3A_228 : memref<1000064x64xf32, #tpu.memory_space<hbm>>) dst(%dma_wait3A_223 : memref<80x64xf32, #tpu.memory_space<vmem>>)
      %dma_wait3A_229 = arith.constant 400 : i32
      %dma_wait3A_230 = arith.constant 0 : i32
      %dma_wait3A_231 = tpu.memref_slice %arg7[%dma_wait3A_229, %dma_wait3A_230] : memref<800x64xf32, #tpu.memory_space<vmem>> -> memref<80x64xf32, #tpu.memory_space<vmem>>
      %dma_wait3A_232 = arith.constant 400 : i32
      %dma_wait3A_233 = tpu.memref_slice %arg5[%dma_wait3A_232] : memref<800xi32, #tpu.memory_space<vmem>> -> memref<80xi32, #tpu.memory_space<vmem>>
      %dma_wait3A_234 = arith.constant 0 : i32
      %dma_wait3A_235 = arith.constant 0 : i32
      %dma_wait3A_236 = tpu.memref_slice %arg3[%dma_wait3A_234, %dma_wait3A_235] : memref<1000064x64xf32, #tpu.memory_space<hbm>> -> memref<1000064x64xf32, #tpu.memory_space<hbm>>
      tpu.wait_indirect_dma semaphore(%arg9 : memref<!tpu.dma_semaphore, #tpu.memory_space<semaphore_mem>>) src(%dma_wait3A_236 : memref<1000064x64xf32, #tpu.memory_space<hbm>>) dst(%dma_wait3A_231 : memref<80x64xf32, #tpu.memory_space<vmem>>)
      %dma_wait3A_237 = arith.constant 480 : i32
      %dma_wait3A_238 = arith.constant 0 : i32
      %dma_wait3A_239 = tpu.memref_slice %arg7[%dma_wait3A_237, %dma_wait3A_238] : memref<800x64xf32, #tpu.memory_space<vmem>> -> memref<80x64xf32, #tpu.memory_space<vmem>>
      %dma_wait3A_240 = arith.constant 480 : i32
      %dma_wait3A_241 = tpu.memref_slice %arg5[%dma_wait3A_240] : memref<800xi32, #tpu.memory_space<vmem>> -> memref<80xi32, #tpu.memory_space<vmem>>
      %dma_wait3A_242 = arith.constant 0 : i32
      %dma_wait3A_243 = arith.constant 0 : i32
      %dma_wait3A_244 = tpu.memref_slice %arg3[%dma_wait3A_242, %dma_wait3A_243] : memref<1000064x64xf32, #tpu.memory_space<hbm>> -> memref<1000064x64xf32, #tpu.memory_space<hbm>>
      tpu.wait_indirect_dma semaphore(%arg9 : memref<!tpu.dma_semaphore, #tpu.memory_space<semaphore_mem>>) src(%dma_wait3A_244 : memref<1000064x64xf32, #tpu.memory_space<hbm>>) dst(%dma_wait3A_239 : memref<80x64xf32, #tpu.memory_space<vmem>>)
      %dma_wait3A_245 = arith.constant 560 : i32
      %dma_wait3A_246 = arith.constant 0 : i32
      %dma_wait3A_247 = tpu.memref_slice %arg7[%dma_wait3A_245, %dma_wait3A_246] : memref<800x64xf32, #tpu.memory_space<vmem>> -> memref<80x64xf32, #tpu.memory_space<vmem>>
      %dma_wait3A_248 = arith.constant 560 : i32
      %dma_wait3A_249 = tpu.memref_slice %arg5[%dma_wait3A_248] : memref<800xi32, #tpu.memory_space<vmem>> -> memref<80xi32, #tpu.memory_space<vmem>>
      %dma_wait3A_250 = arith.constant 0 : i32
      %dma_wait3A_251 = arith.constant 0 : i32
      %dma_wait3A_252 = tpu.memref_slice %arg3[%dma_wait3A_250, %dma_wait3A_251] : memref<1000064x64xf32, #tpu.memory_space<hbm>> -> memref<1000064x64xf32, #tpu.memory_space<hbm>>
      tpu.wait_indirect_dma semaphore(%arg9 : memref<!tpu.dma_semaphore, #tpu.memory_space<semaphore_mem>>) src(%dma_wait3A_252 : memref<1000064x64xf32, #tpu.memory_space<hbm>>) dst(%dma_wait3A_247 : memref<80x64xf32, #tpu.memory_space<vmem>>)
      %dma_wait3A_253 = arith.constant 640 : i32
      %dma_wait3A_254 = arith.constant 0 : i32
      %dma_wait3A_255 = tpu.memref_slice %arg7[%dma_wait3A_253, %dma_wait3A_254] : memref<800x64xf32, #tpu.memory_space<vmem>> -> memref<80x64xf32, #tpu.memory_space<vmem>>
      %dma_wait3A_256 = arith.constant 640 : i32
      %dma_wait3A_257 = tpu.memref_slice %arg5[%dma_wait3A_256] : memref<800xi32, #tpu.memory_space<vmem>> -> memref<80xi32, #tpu.memory_space<vmem>>
      %dma_wait3A_258 = arith.constant 0 : i32
      %dma_wait3A_259 = arith.constant 0 : i32
      %dma_wait3A_260 = tpu.memref_slice %arg3[%dma_wait3A_258, %dma_wait3A_259] : memref<1000064x64xf32, #tpu.memory_space<hbm>> -> memref<1000064x64xf32, #tpu.memory_space<hbm>>
      tpu.wait_indirect_dma semaphore(%arg9 : memref<!tpu.dma_semaphore, #tpu.memory_space<semaphore_mem>>) src(%dma_wait3A_260 : memref<1000064x64xf32, #tpu.memory_space<hbm>>) dst(%dma_wait3A_255 : memref<80x64xf32, #tpu.memory_space<vmem>>)
      %dma_wait3A_261 = arith.constant 720 : i32
      %dma_wait3A_262 = arith.constant 0 : i32
      %dma_wait3A_263 = tpu.memref_slice %arg7[%dma_wait3A_261, %dma_wait3A_262] : memref<800x64xf32, #tpu.memory_space<vmem>> -> memref<80x64xf32, #tpu.memory_space<vmem>>
      %dma_wait3A_264 = arith.constant 720 : i32
      %dma_wait3A_265 = tpu.memref_slice %arg5[%dma_wait3A_264] : memref<800xi32, #tpu.memory_space<vmem>> -> memref<80xi32, #tpu.memory_space<vmem>>
      %dma_wait3A_266 = arith.constant 0 : i32
      %dma_wait3A_267 = arith.constant 0 : i32
      %dma_wait3A_268 = tpu.memref_slice %arg3[%dma_wait3A_266, %dma_wait3A_267] : memref<1000064x64xf32, #tpu.memory_space<hbm>> -> memref<1000064x64xf32, #tpu.memory_space<hbm>>
      tpu.wait_indirect_dma semaphore(%arg9 : memref<!tpu.dma_semaphore, #tpu.memory_space<semaphore_mem>>) src(%dma_wait3A_268 : memref<1000064x64xf32, #tpu.memory_space<hbm>>) dst(%dma_wait3A_263 : memref<80x64xf32, #tpu.memory_space<vmem>>)
      %mul3A_269 = arith.constant 800 : i32
      %mul3A_270 = arith.muli %mul3A_101, %mul3A_269 : i32
      %add3A_271 = arith.addi %mul3A_2, %mul3A_270 : i32
      %dma_start3A_272 = arith.constant 0 : i32
      %dma_start3A_273 = tpu.memref_slice %arg4[%add3A_271, %dma_start3A_272] : memref<819200x64xf32, #tpu.memory_space<hbm>> -> memref<800x64xf32, #tpu.memory_space<hbm>>
      %dma_start3A_274 = arith.constant 0 : i32
      %dma_start3A_275 = tpu.memref_slice %arg4[%add3A_271, %dma_start3A_274] : memref<819200x64xf32, #tpu.memory_space<hbm>> -> memref<800x64xf32, #tpu.memory_space<hbm>>
      tpu.enqueue_dma source(%arg7 : memref<800x64xf32, #tpu.memory_space<vmem>>) target(%dma_start3A_275 : memref<800x64xf32, #tpu.memory_space<hbm>>) target_semaphore(%arg10 : memref<!tpu.dma_semaphore, #tpu.memory_space<semaphore_mem>>)
      %lt3A = arith.constant 15 : i32
      %lt3A_276 = arith.cmpi slt, %add3A_99, %lt3A : i32
      %convert_element_type3A_277 = arith.extui %lt3A_276 : i1 to i32
      %cond3A_278 = arith.constant 0 : i32
      %cond3A_279 = arith.cmpi ne, %convert_element_type3A_277, %cond3A_278 : i32
      scf.if %cond3A_279 {
        %dma_wait3A_369 = arith.constant 0 : i32
        %dma_wait3A_370 = tpu.memref_slice %arg4[%mul3A_2, %dma_wait3A_369] : memref<819200x64xf32, #tpu.memory_space<hbm>> -> memref<800x64xf32, #tpu.memory_space<hbm>>
        %dma_wait3A_371 = arith.constant 0 : i32
        %dma_wait3A_372 = tpu.memref_slice %arg4[%mul3A_2, %dma_wait3A_371] : memref<819200x64xf32, #tpu.memory_space<hbm>> -> memref<800x64xf32, #tpu.memory_space<hbm>>
        tpu.wait_dma2 semaphore(%arg10 : memref<!tpu.dma_semaphore, #tpu.memory_space<semaphore_mem>>) src(%arg7 : memref<800x64xf32, #tpu.memory_space<vmem>>) dst(%dma_wait3A_372 : memref<800x64xf32, #tpu.memory_space<hbm>>)
        %add3A_373 = arith.constant 2 : i32
        %add3A_374 = arith.addi %mul3A_101, %add3A_373 : i32
        %mul3A_375 = arith.constant 800 : i32
        %mul3A_376 = arith.muli %add3A_374, %mul3A_375 : i32
        %add3A_377 = arith.addi %mul3A_2, %mul3A_376 : i32
        "tpu.region"() ({
          %run_scoped3A = tpu.sem_alloc : memref<!tpu.dma_semaphore, #tpu.memory_space<semaphore_mem>>
          %dma_start3A_458 = tpu.memref_slice %arg2[%add3A_377] : memref<819200xi32, #tpu.memory_space<hbm>> -> memref<800xi32, #tpu.memory_space<hbm>>
          %dma_start3A_459 = tpu.memref_slice %arg2[%add3A_377] : memref<819200xi32, #tpu.memory_space<hbm>> -> memref<800xi32, #tpu.memory_space<hbm>>
          tpu.enqueue_dma source(%dma_start3A_459 : memref<800xi32, #tpu.memory_space<hbm>>) target(%arg5 : memref<800xi32, #tpu.memory_space<vmem>>) target_semaphore(%run_scoped3A : memref<!tpu.dma_semaphore, #tpu.memory_space<semaphore_mem>>)
          %dma_wait3A_460 = tpu.memref_slice %arg2[%add3A_377] : memref<819200xi32, #tpu.memory_space<hbm>> -> memref<800xi32, #tpu.memory_space<hbm>>
          %dma_wait3A_461 = tpu.memref_slice %arg2[%add3A_377] : memref<819200xi32, #tpu.memory_space<hbm>> -> memref<800xi32, #tpu.memory_space<hbm>>
          tpu.wait_dma2 semaphore(%run_scoped3A : memref<!tpu.dma_semaphore, #tpu.memory_space<semaphore_mem>>) src(%dma_wait3A_461 : memref<800xi32, #tpu.memory_space<hbm>>) dst(%arg5 : memref<800xi32, #tpu.memory_space<vmem>>)
          tpu.yield
        }) : () -> ()
        %dma_start3A_378 = arith.constant 0 : i32
        %dma_start3A_379 = arith.constant 0 : i32
        %dma_start3A_380 = tpu.memref_slice %arg7[%dma_start3A_378, %dma_start3A_379] : memref<800x64xf32, #tpu.memory_space<vmem>> -> memref<80x64xf32, #tpu.memory_space<vmem>>
        %dma_start3A_381 = arith.constant 0 : i32
        %dma_start3A_382 = tpu.memref_slice %arg5[%dma_start3A_381] : memref<800xi32, #tpu.memory_space<vmem>> -> memref<80xi32, #tpu.memory_space<vmem>>
        %dma_start3A_383 = arith.constant 0 : i32
        %dma_start3A_384 = arith.constant 0 : i32
        %dma_start3A_385 = tpu.memref_slice %arg3[%dma_start3A_383, %dma_start3A_384] : memref<1000064x64xf32, #tpu.memory_space<hbm>> -> memref<1000064x64xf32, #tpu.memory_space<hbm>>
        tpu.enqueue_indirect_dma source(%dma_start3A_385 : memref<1000064x64xf32, #tpu.memory_space<hbm>>) target(%dma_start3A_380 : memref<80x64xf32, #tpu.memory_space<vmem>>) offsets(%dma_start3A_382 : memref<80xi32, #tpu.memory_space<vmem>>) semaphore(%arg9 : memref<!tpu.dma_semaphore, #tpu.memory_space<semaphore_mem>>)
        %dma_start3A_386 = arith.constant 80 : i32
        %dma_start3A_387 = arith.constant 0 : i32
        %dma_start3A_388 = tpu.memref_slice %arg7[%dma_start3A_386, %dma_start3A_387] : memref<800x64xf32, #tpu.memory_space<vmem>> -> memref<80x64xf32, #tpu.memory_space<vmem>>
        %dma_start3A_389 = arith.constant 80 : i32
        %dma_start3A_390 = tpu.memref_slice %arg5[%dma_start3A_389] : memref<800xi32, #tpu.memory_space<vmem>> -> memref<80xi32, #tpu.memory_space<vmem>>
        %dma_start3A_391 = arith.constant 0 : i32
        %dma_start3A_392 = arith.constant 0 : i32
        %dma_start3A_393 = tpu.memref_slice %arg3[%dma_start3A_391, %dma_start3A_392] : memref<1000064x64xf32, #tpu.memory_space<hbm>> -> memref<1000064x64xf32, #tpu.memory_space<hbm>>
        tpu.enqueue_indirect_dma source(%dma_start3A_393 : memref<1000064x64xf32, #tpu.memory_space<hbm>>) target(%dma_start3A_388 : memref<80x64xf32, #tpu.memory_space<vmem>>) offsets(%dma_start3A_390 : memref<80xi32, #tpu.memory_space<vmem>>) semaphore(%arg9 : memref<!tpu.dma_semaphore, #tpu.memory_space<semaphore_mem>>)
        %dma_start3A_394 = arith.constant 160 : i32
        %dma_start3A_395 = arith.constant 0 : i32
        %dma_start3A_396 = tpu.memref_slice %arg7[%dma_start3A_394, %dma_start3A_395] : memref<800x64xf32, #tpu.memory_space<vmem>> -> memref<80x64xf32, #tpu.memory_space<vmem>>
        %dma_start3A_397 = arith.constant 160 : i32
        %dma_start3A_398 = tpu.memref_slice %arg5[%dma_start3A_397] : memref<800xi32, #tpu.memory_space<vmem>> -> memref<80xi32, #tpu.memory_space<vmem>>
        %dma_start3A_399 = arith.constant 0 : i32
        %dma_start3A_400 = arith.constant 0 : i32
        %dma_start3A_401 = tpu.memref_slice %arg3[%dma_start3A_399, %dma_start3A_400] : memref<1000064x64xf32, #tpu.memory_space<hbm>> -> memref<1000064x64xf32, #tpu.memory_space<hbm>>
        tpu.enqueue_indirect_dma source(%dma_start3A_401 : memref<1000064x64xf32, #tpu.memory_space<hbm>>) target(%dma_start3A_396 : memref<80x64xf32, #tpu.memory_space<vmem>>) offsets(%dma_start3A_398 : memref<80xi32, #tpu.memory_space<vmem>>) semaphore(%arg9 : memref<!tpu.dma_semaphore, #tpu.memory_space<semaphore_mem>>)
        %dma_start3A_402 = arith.constant 240 : i32
        %dma_start3A_403 = arith.constant 0 : i32
        %dma_start3A_404 = tpu.memref_slice %arg7[%dma_start3A_402, %dma_start3A_403] : memref<800x64xf32, #tpu.memory_space<vmem>> -> memref<80x64xf32, #tpu.memory_space<vmem>>
        %dma_start3A_405 = arith.constant 240 : i32
        %dma_start3A_406 = tpu.memref_slice %arg5[%dma_start3A_405] : memref<800xi32, #tpu.memory_space<vmem>> -> memref<80xi32, #tpu.memory_space<vmem>>
        %dma_start3A_407 = arith.constant 0 : i32
        %dma_start3A_408 = arith.constant 0 : i32
        %dma_start3A_409 = tpu.memref_slice %arg3[%dma_start3A_407, %dma_start3A_408] : memref<1000064x64xf32, #tpu.memory_space<hbm>> -> memref<1000064x64xf32, #tpu.memory_space<hbm>>
        tpu.enqueue_indirect_dma source(%dma_start3A_409 : memref<1000064x64xf32, #tpu.memory_space<hbm>>) target(%dma_start3A_404 : memref<80x64xf32, #tpu.memory_space<vmem>>) offsets(%dma_start3A_406 : memref<80xi32, #tpu.memory_space<vmem>>) semaphore(%arg9 : memref<!tpu.dma_semaphore, #tpu.memory_space<semaphore_mem>>)
        %dma_start3A_410 = arith.constant 320 : i32
        %dma_start3A_411 = arith.constant 0 : i32
        %dma_start3A_412 = tpu.memref_slice %arg7[%dma_start3A_410, %dma_start3A_411] : memref<800x64xf32, #tpu.memory_space<vmem>> -> memref<80x64xf32, #tpu.memory_space<vmem>>
        %dma_start3A_413 = arith.constant 320 : i32
        %dma_start3A_414 = tpu.memref_slice %arg5[%dma_start3A_413] : memref<800xi32, #tpu.memory_space<vmem>> -> memref<80xi32, #tpu.memory_space<vmem>>
        %dma_start3A_415 = arith.constant 0 : i32
        %dma_start3A_416 = arith.constant 0 : i32
        %dma_start3A_417 = tpu.memref_slice %arg3[%dma_start3A_415, %dma_start3A_416] : memref<1000064x64xf32, #tpu.memory_space<hbm>> -> memref<1000064x64xf32, #tpu.memory_space<hbm>>
        tpu.enqueue_indirect_dma source(%dma_start3A_417 : memref<1000064x64xf32, #tpu.memory_space<hbm>>) target(%dma_start3A_412 : memref<80x64xf32, #tpu.memory_space<vmem>>) offsets(%dma_start3A_414 : memref<80xi32, #tpu.memory_space<vmem>>) semaphore(%arg9 : memref<!tpu.dma_semaphore, #tpu.memory_space<semaphore_mem>>)
        %dma_start3A_418 = arith.constant 400 : i32
        %dma_start3A_419 = arith.constant 0 : i32
        %dma_start3A_420 = tpu.memref_slice %arg7[%dma_start3A_418, %dma_start3A_419] : memref<800x64xf32, #tpu.memory_space<vmem>> -> memref<80x64xf32, #tpu.memory_space<vmem>>
        %dma_start3A_421 = arith.constant 400 : i32
        %dma_start3A_422 = tpu.memref_slice %arg5[%dma_start3A_421] : memref<800xi32, #tpu.memory_space<vmem>> -> memref<80xi32, #tpu.memory_space<vmem>>
        %dma_start3A_423 = arith.constant 0 : i32
        %dma_start3A_424 = arith.constant 0 : i32
        %dma_start3A_425 = tpu.memref_slice %arg3[%dma_start3A_423, %dma_start3A_424] : memref<1000064x64xf32, #tpu.memory_space<hbm>> -> memref<1000064x64xf32, #tpu.memory_space<hbm>>
        tpu.enqueue_indirect_dma source(%dma_start3A_425 : memref<1000064x64xf32, #tpu.memory_space<hbm>>) target(%dma_start3A_420 : memref<80x64xf32, #tpu.memory_space<vmem>>) offsets(%dma_start3A_422 : memref<80xi32, #tpu.memory_space<vmem>>) semaphore(%arg9 : memref<!tpu.dma_semaphore, #tpu.memory_space<semaphore_mem>>)
        %dma_start3A_426 = arith.constant 480 : i32
        %dma_start3A_427 = arith.constant 0 : i32
        %dma_start3A_428 = tpu.memref_slice %arg7[%dma_start3A_426, %dma_start3A_427] : memref<800x64xf32, #tpu.memory_space<vmem>> -> memref<80x64xf32, #tpu.memory_space<vmem>>
        %dma_start3A_429 = arith.constant 480 : i32
        %dma_start3A_430 = tpu.memref_slice %arg5[%dma_start3A_429] : memref<800xi32, #tpu.memory_space<vmem>> -> memref<80xi32, #tpu.memory_space<vmem>>
        %dma_start3A_431 = arith.constant 0 : i32
        %dma_start3A_432 = arith.constant 0 : i32
        %dma_start3A_433 = tpu.memref_slice %arg3[%dma_start3A_431, %dma_start3A_432] : memref<1000064x64xf32, #tpu.memory_space<hbm>> -> memref<1000064x64xf32, #tpu.memory_space<hbm>>
        tpu.enqueue_indirect_dma source(%dma_start3A_433 : memref<1000064x64xf32, #tpu.memory_space<hbm>>) target(%dma_start3A_428 : memref<80x64xf32, #tpu.memory_space<vmem>>) offsets(%dma_start3A_430 : memref<80xi32, #tpu.memory_space<vmem>>) semaphore(%arg9 : memref<!tpu.dma_semaphore, #tpu.memory_space<semaphore_mem>>)
        %dma_start3A_434 = arith.constant 560 : i32
        %dma_start3A_435 = arith.constant 0 : i32
        %dma_start3A_436 = tpu.memref_slice %arg7[%dma_start3A_434, %dma_start3A_435] : memref<800x64xf32, #tpu.memory_space<vmem>> -> memref<80x64xf32, #tpu.memory_space<vmem>>
        %dma_start3A_437 = arith.constant 560 : i32
        %dma_start3A_438 = tpu.memref_slice %arg5[%dma_start3A_437] : memref<800xi32, #tpu.memory_space<vmem>> -> memref<80xi32, #tpu.memory_space<vmem>>
        %dma_start3A_439 = arith.constant 0 : i32
        %dma_start3A_440 = arith.constant 0 : i32
        %dma_start3A_441 = tpu.memref_slice %arg3[%dma_start3A_439, %dma_start3A_440] : memref<1000064x64xf32, #tpu.memory_space<hbm>> -> memref<1000064x64xf32, #tpu.memory_space<hbm>>
        tpu.enqueue_indirect_dma source(%dma_start3A_441 : memref<1000064x64xf32, #tpu.memory_space<hbm>>) target(%dma_start3A_436 : memref<80x64xf32, #tpu.memory_space<vmem>>) offsets(%dma_start3A_438 : memref<80xi32, #tpu.memory_space<vmem>>) semaphore(%arg9 : memref<!tpu.dma_semaphore, #tpu.memory_space<semaphore_mem>>)
        %dma_start3A_442 = arith.constant 640 : i32
        %dma_start3A_443 = arith.constant 0 : i32
        %dma_start3A_444 = tpu.memref_slice %arg7[%dma_start3A_442, %dma_start3A_443] : memref<800x64xf32, #tpu.memory_space<vmem>> -> memref<80x64xf32, #tpu.memory_space<vmem>>
        %dma_start3A_445 = arith.constant 640 : i32
        %dma_start3A_446 = tpu.memref_slice %arg5[%dma_start3A_445] : memref<800xi32, #tpu.memory_space<vmem>> -> memref<80xi32, #tpu.memory_space<vmem>>
        %dma_start3A_447 = arith.constant 0 : i32
        %dma_start3A_448 = arith.constant 0 : i32
        %dma_start3A_449 = tpu.memref_slice %arg3[%dma_start3A_447, %dma_start3A_448] : memref<1000064x64xf32, #tpu.memory_space<hbm>> -> memref<1000064x64xf32, #tpu.memory_space<hbm>>
        tpu.enqueue_indirect_dma source(%dma_start3A_449 : memref<1000064x64xf32, #tpu.memory_space<hbm>>) target(%dma_start3A_444 : memref<80x64xf32, #tpu.memory_space<vmem>>) offsets(%dma_start3A_446 : memref<80xi32, #tpu.memory_space<vmem>>) semaphore(%arg9 : memref<!tpu.dma_semaphore, #tpu.memory_space<semaphore_mem>>)
        %dma_start3A_450 = arith.constant 720 : i32
        %dma_start3A_451 = arith.constant 0 : i32
        %dma_start3A_452 = tpu.memref_slice %arg7[%dma_start3A_450, %dma_start3A_451] : memref<800x64xf32, #tpu.memory_space<vmem>> -> memref<80x64xf32, #tpu.memory_space<vmem>>
        %dma_start3A_453 = arith.constant 720 : i32
        %dma_start3A_454 = tpu.memref_slice %arg5[%dma_start3A_453] : memref<800xi32, #tpu.memory_space<vmem>> -> memref<80xi32, #tpu.memory_space<vmem>>
        %dma_start3A_455 = arith.constant 0 : i32
        %dma_start3A_456 = arith.constant 0 : i32
        %dma_start3A_457 = tpu.memref_slice %arg3[%dma_start3A_455, %dma_start3A_456] : memref<1000064x64xf32, #tpu.memory_space<hbm>> -> memref<1000064x64xf32, #tpu.memory_space<hbm>>
        tpu.enqueue_indirect_dma source(%dma_start3A_457 : memref<1000064x64xf32, #tpu.memory_space<hbm>>) target(%dma_start3A_452 : memref<80x64xf32, #tpu.memory_space<vmem>>) offsets(%dma_start3A_454 : memref<80xi32, #tpu.memory_space<vmem>>) semaphore(%arg9 : memref<!tpu.dma_semaphore, #tpu.memory_space<semaphore_mem>>)
      } else {
      }
      %dma_wait3A_280 = arith.constant 0 : i32
      %dma_wait3A_281 = arith.constant 0 : i32
      %dma_wait3A_282 = tpu.memref_slice %arg8[%dma_wait3A_280, %dma_wait3A_281] : memref<800x64xf32, #tpu.memory_space<vmem>> -> memref<80x64xf32, #tpu.memory_space<vmem>>
      %dma_wait3A_283 = arith.constant 0 : i32
      %dma_wait3A_284 = tpu.memref_slice %arg6[%dma_wait3A_283] : memref<800xi32, #tpu.memory_space<vmem>> -> memref<80xi32, #tpu.memory_space<vmem>>
      %dma_wait3A_285 = arith.constant 0 : i32
      %dma_wait3A_286 = arith.constant 0 : i32
      %dma_wait3A_287 = tpu.memref_slice %arg3[%dma_wait3A_285, %dma_wait3A_286] : memref<1000064x64xf32, #tpu.memory_space<hbm>> -> memref<1000064x64xf32, #tpu.memory_space<hbm>>
      tpu.wait_indirect_dma semaphore(%arg9 : memref<!tpu.dma_semaphore, #tpu.memory_space<semaphore_mem>>) src(%dma_wait3A_287 : memref<1000064x64xf32, #tpu.memory_space<hbm>>) dst(%dma_wait3A_282 : memref<80x64xf32, #tpu.memory_space<vmem>>)
      %dma_wait3A_288 = arith.constant 80 : i32
      %dma_wait3A_289 = arith.constant 0 : i32
      %dma_wait3A_290 = tpu.memref_slice %arg8[%dma_wait3A_288, %dma_wait3A_289] : memref<800x64xf32, #tpu.memory_space<vmem>> -> memref<80x64xf32, #tpu.memory_space<vmem>>
      %dma_wait3A_291 = arith.constant 80 : i32
      %dma_wait3A_292 = tpu.memref_slice %arg6[%dma_wait3A_291] : memref<800xi32, #tpu.memory_space<vmem>> -> memref<80xi32, #tpu.memory_space<vmem>>
      %dma_wait3A_293 = arith.constant 0 : i32
      %dma_wait3A_294 = arith.constant 0 : i32
      %dma_wait3A_295 = tpu.memref_slice %arg3[%dma_wait3A_293, %dma_wait3A_294] : memref<1000064x64xf32, #tpu.memory_space<hbm>> -> memref<1000064x64xf32, #tpu.memory_space<hbm>>
      tpu.wait_indirect_dma semaphore(%arg9 : memref<!tpu.dma_semaphore, #tpu.memory_space<semaphore_mem>>) src(%dma_wait3A_295 : memref<1000064x64xf32, #tpu.memory_space<hbm>>) dst(%dma_wait3A_290 : memref<80x64xf32, #tpu.memory_space<vmem>>)
      %dma_wait3A_296 = arith.constant 160 : i32
      %dma_wait3A_297 = arith.constant 0 : i32
      %dma_wait3A_298 = tpu.memref_slice %arg8[%dma_wait3A_296, %dma_wait3A_297] : memref<800x64xf32, #tpu.memory_space<vmem>> -> memref<80x64xf32, #tpu.memory_space<vmem>>
      %dma_wait3A_299 = arith.constant 160 : i32
      %dma_wait3A_300 = tpu.memref_slice %arg6[%dma_wait3A_299] : memref<800xi32, #tpu.memory_space<vmem>> -> memref<80xi32, #tpu.memory_space<vmem>>
      %dma_wait3A_301 = arith.constant 0 : i32
      %dma_wait3A_302 = arith.constant 0 : i32
      %dma_wait3A_303 = tpu.memref_slice %arg3[%dma_wait3A_301, %dma_wait3A_302] : memref<1000064x64xf32, #tpu.memory_space<hbm>> -> memref<1000064x64xf32, #tpu.memory_space<hbm>>
      tpu.wait_indirect_dma semaphore(%arg9 : memref<!tpu.dma_semaphore, #tpu.memory_space<semaphore_mem>>) src(%dma_wait3A_303 : memref<1000064x64xf32, #tpu.memory_space<hbm>>) dst(%dma_wait3A_298 : memref<80x64xf32, #tpu.memory_space<vmem>>)
      %dma_wait3A_304 = arith.constant 240 : i32
      %dma_wait3A_305 = arith.constant 0 : i32
      %dma_wait3A_306 = tpu.memref_slice %arg8[%dma_wait3A_304, %dma_wait3A_305] : memref<800x64xf32, #tpu.memory_space<vmem>> -> memref<80x64xf32, #tpu.memory_space<vmem>>
      %dma_wait3A_307 = arith.constant 240 : i32
      %dma_wait3A_308 = tpu.memref_slice %arg6[%dma_wait3A_307] : memref<800xi32, #tpu.memory_space<vmem>> -> memref<80xi32, #tpu.memory_space<vmem>>
      %dma_wait3A_309 = arith.constant 0 : i32
      %dma_wait3A_310 = arith.constant 0 : i32
      %dma_wait3A_311 = tpu.memref_slice %arg3[%dma_wait3A_309, %dma_wait3A_310] : memref<1000064x64xf32, #tpu.memory_space<hbm>> -> memref<1000064x64xf32, #tpu.memory_space<hbm>>
      tpu.wait_indirect_dma semaphore(%arg9 : memref<!tpu.dma_semaphore, #tpu.memory_space<semaphore_mem>>) src(%dma_wait3A_311 : memref<1000064x64xf32, #tpu.memory_space<hbm>>) dst(%dma_wait3A_306 : memref<80x64xf32, #tpu.memory_space<vmem>>)
      %dma_wait3A_312 = arith.constant 320 : i32
      %dma_wait3A_313 = arith.constant 0 : i32
      %dma_wait3A_314 = tpu.memref_slice %arg8[%dma_wait3A_312, %dma_wait3A_313] : memref<800x64xf32, #tpu.memory_space<vmem>> -> memref<80x64xf32, #tpu.memory_space<vmem>>
      %dma_wait3A_315 = arith.constant 320 : i32
      %dma_wait3A_316 = tpu.memref_slice %arg6[%dma_wait3A_315] : memref<800xi32, #tpu.memory_space<vmem>> -> memref<80xi32, #tpu.memory_space<vmem>>
      %dma_wait3A_317 = arith.constant 0 : i32
      %dma_wait3A_318 = arith.constant 0 : i32
      %dma_wait3A_319 = tpu.memref_slice %arg3[%dma_wait3A_317, %dma_wait3A_318] : memref<1000064x64xf32, #tpu.memory_space<hbm>> -> memref<1000064x64xf32, #tpu.memory_space<hbm>>
      tpu.wait_indirect_dma semaphore(%arg9 : memref<!tpu.dma_semaphore, #tpu.memory_space<semaphore_mem>>) src(%dma_wait3A_319 : memref<1000064x64xf32, #tpu.memory_space<hbm>>) dst(%dma_wait3A_314 : memref<80x64xf32, #tpu.memory_space<vmem>>)
      %dma_wait3A_320 = arith.constant 400 : i32
      %dma_wait3A_321 = arith.constant 0 : i32
      %dma_wait3A_322 = tpu.memref_slice %arg8[%dma_wait3A_320, %dma_wait3A_321] : memref<800x64xf32, #tpu.memory_space<vmem>> -> memref<80x64xf32, #tpu.memory_space<vmem>>
      %dma_wait3A_323 = arith.constant 400 : i32
      %dma_wait3A_324 = tpu.memref_slice %arg6[%dma_wait3A_323] : memref<800xi32, #tpu.memory_space<vmem>> -> memref<80xi32, #tpu.memory_space<vmem>>
      %dma_wait3A_325 = arith.constant 0 : i32
      %dma_wait3A_326 = arith.constant 0 : i32
      %dma_wait3A_327 = tpu.memref_slice %arg3[%dma_wait3A_325, %dma_wait3A_326] : memref<1000064x64xf32, #tpu.memory_space<hbm>> -> memref<1000064x64xf32, #tpu.memory_space<hbm>>
      tpu.wait_indirect_dma semaphore(%arg9 : memref<!tpu.dma_semaphore, #tpu.memory_space<semaphore_mem>>) src(%dma_wait3A_327 : memref<1000064x64xf32, #tpu.memory_space<hbm>>) dst(%dma_wait3A_322 : memref<80x64xf32, #tpu.memory_space<vmem>>)
      %dma_wait3A_328 = arith.constant 480 : i32
      %dma_wait3A_329 = arith.constant 0 : i32
      %dma_wait3A_330 = tpu.memref_slice %arg8[%dma_wait3A_328, %dma_wait3A_329] : memref<800x64xf32, #tpu.memory_space<vmem>> -> memref<80x64xf32, #tpu.memory_space<vmem>>
      %dma_wait3A_331 = arith.constant 480 : i32
      %dma_wait3A_332 = tpu.memref_slice %arg6[%dma_wait3A_331] : memref<800xi32, #tpu.memory_space<vmem>> -> memref<80xi32, #tpu.memory_space<vmem>>
      %dma_wait3A_333 = arith.constant 0 : i32
      %dma_wait3A_334 = arith.constant 0 : i32
      %dma_wait3A_335 = tpu.memref_slice %arg3[%dma_wait3A_333, %dma_wait3A_334] : memref<1000064x64xf32, #tpu.memory_space<hbm>> -> memref<1000064x64xf32, #tpu.memory_space<hbm>>
      tpu.wait_indirect_dma semaphore(%arg9 : memref<!tpu.dma_semaphore, #tpu.memory_space<semaphore_mem>>) src(%dma_wait3A_335 : memref<1000064x64xf32, #tpu.memory_space<hbm>>) dst(%dma_wait3A_330 : memref<80x64xf32, #tpu.memory_space<vmem>>)
      %dma_wait3A_336 = arith.constant 560 : i32
      %dma_wait3A_337 = arith.constant 0 : i32
      %dma_wait3A_338 = tpu.memref_slice %arg8[%dma_wait3A_336, %dma_wait3A_337] : memref<800x64xf32, #tpu.memory_space<vmem>> -> memref<80x64xf32, #tpu.memory_space<vmem>>
      %dma_wait3A_339 = arith.constant 560 : i32
      %dma_wait3A_340 = tpu.memref_slice %arg6[%dma_wait3A_339] : memref<800xi32, #tpu.memory_space<vmem>> -> memref<80xi32, #tpu.memory_space<vmem>>
      %dma_wait3A_341 = arith.constant 0 : i32
      %dma_wait3A_342 = arith.constant 0 : i32
      %dma_wait3A_343 = tpu.memref_slice %arg3[%dma_wait3A_341, %dma_wait3A_342] : memref<1000064x64xf32, #tpu.memory_space<hbm>> -> memref<1000064x64xf32, #tpu.memory_space<hbm>>
      tpu.wait_indirect_dma semaphore(%arg9 : memref<!tpu.dma_semaphore, #tpu.memory_space<semaphore_mem>>) src(%dma_wait3A_343 : memref<1000064x64xf32, #tpu.memory_space<hbm>>) dst(%dma_wait3A_338 : memref<80x64xf32, #tpu.memory_space<vmem>>)
      %dma_wait3A_344 = arith.constant 640 : i32
      %dma_wait3A_345 = arith.constant 0 : i32
      %dma_wait3A_346 = tpu.memref_slice %arg8[%dma_wait3A_344, %dma_wait3A_345] : memref<800x64xf32, #tpu.memory_space<vmem>> -> memref<80x64xf32, #tpu.memory_space<vmem>>
      %dma_wait3A_347 = arith.constant 640 : i32
      %dma_wait3A_348 = tpu.memref_slice %arg6[%dma_wait3A_347] : memref<800xi32, #tpu.memory_space<vmem>> -> memref<80xi32, #tpu.memory_space<vmem>>
      %dma_wait3A_349 = arith.constant 0 : i32
      %dma_wait3A_350 = arith.constant 0 : i32
      %dma_wait3A_351 = tpu.memref_slice %arg3[%dma_wait3A_349, %dma_wait3A_350] : memref<1000064x64xf32, #tpu.memory_space<hbm>> -> memref<1000064x64xf32, #tpu.memory_space<hbm>>
      tpu.wait_indirect_dma semaphore(%arg9 : memref<!tpu.dma_semaphore, #tpu.memory_space<semaphore_mem>>) src(%dma_wait3A_351 : memref<1000064x64xf32, #tpu.memory_space<hbm>>) dst(%dma_wait3A_346 : memref<80x64xf32, #tpu.memory_space<vmem>>)
      %dma_wait3A_352 = arith.constant 720 : i32
      %dma_wait3A_353 = arith.constant 0 : i32
      %dma_wait3A_354 = tpu.memref_slice %arg8[%dma_wait3A_352, %dma_wait3A_353] : memref<800x64xf32, #tpu.memory_space<vmem>> -> memref<80x64xf32, #tpu.memory_space<vmem>>
      %dma_wait3A_355 = arith.constant 720 : i32
      %dma_wait3A_356 = tpu.memref_slice %arg6[%dma_wait3A_355] : memref<800xi32, #tpu.memory_space<vmem>> -> memref<80xi32, #tpu.memory_space<vmem>>
      %dma_wait3A_357 = arith.constant 0 : i32
      %dma_wait3A_358 = arith.constant 0 : i32
      %dma_wait3A_359 = tpu.memref_slice %arg3[%dma_wait3A_357, %dma_wait3A_358] : memref<1000064x64xf32, #tpu.memory_space<hbm>> -> memref<1000064x64xf32, #tpu.memory_space<hbm>>
      tpu.wait_indirect_dma semaphore(%arg9 : memref<!tpu.dma_semaphore, #tpu.memory_space<semaphore_mem>>) src(%dma_wait3A_359 : memref<1000064x64xf32, #tpu.memory_space<hbm>>) dst(%dma_wait3A_354 : memref<80x64xf32, #tpu.memory_space<vmem>>)
      %add3A_360 = arith.constant 1 : i32
      %add3A_361 = arith.addi %mul3A_101, %add3A_360 : i32
      %mul3A_362 = arith.constant 800 : i32
      %mul3A_363 = arith.muli %add3A_361, %mul3A_362 : i32
      %add3A_364 = arith.addi %mul3A_2, %mul3A_363 : i32
      %dma_start3A_365 = arith.constant 0 : i32
      %dma_start3A_366 = tpu.memref_slice %arg4[%add3A_364, %dma_start3A_365] : memref<819200x64xf32, #tpu.memory_space<hbm>> -> memref<800x64xf32, #tpu.memory_space<hbm>>
      %dma_start3A_367 = arith.constant 0 : i32
      %dma_start3A_368 = tpu.memref_slice %arg4[%add3A_364, %dma_start3A_367] : memref<819200x64xf32, #tpu.memory_space<hbm>> -> memref<800x64xf32, #tpu.memory_space<hbm>>
      tpu.enqueue_dma source(%arg8 : memref<800x64xf32, #tpu.memory_space<vmem>>) target(%dma_start3A_368 : memref<800x64xf32, #tpu.memory_space<hbm>>) target_semaphore(%arg10 : memref<!tpu.dma_semaphore, #tpu.memory_space<semaphore_mem>>)
    }
    %scan3A_87 = arith.constant 16 : i32
    %dma_wait3A = arith.constant 0 : i32
    %dma_wait3A_88 = tpu.memref_slice %arg4[%mul3A_2, %dma_wait3A] : memref<819200x64xf32, #tpu.memory_space<hbm>> -> memref<800x64xf32, #tpu.memory_space<hbm>>
    %dma_wait3A_89 = arith.constant 0 : i32
    %dma_wait3A_90 = tpu.memref_slice %arg4[%mul3A_2, %dma_wait3A_89] : memref<819200x64xf32, #tpu.memory_space<hbm>> -> memref<800x64xf32, #tpu.memory_space<hbm>>
    tpu.wait_dma2 semaphore(%arg10 : memref<!tpu.dma_semaphore, #tpu.memory_space<semaphore_mem>>) src(%arg7 : memref<800x64xf32, #tpu.memory_space<vmem>>) dst(%dma_wait3A_90 : memref<800x64xf32, #tpu.memory_space<hbm>>)
    %dma_wait3A_91 = arith.constant 0 : i32
    %dma_wait3A_92 = tpu.memref_slice %arg4[%mul3A_2, %dma_wait3A_91] : memref<819200x64xf32, #tpu.memory_space<hbm>> -> memref<800x64xf32, #tpu.memory_space<hbm>>
    %dma_wait3A_93 = arith.constant 0 : i32
    %dma_wait3A_94 = tpu.memref_slice %arg4[%mul3A_2, %dma_wait3A_93] : memref<819200x64xf32, #tpu.memory_space<hbm>> -> memref<800x64xf32, #tpu.memory_space<hbm>>
    tpu.wait_dma2 semaphore(%arg10 : memref<!tpu.dma_semaphore, #tpu.memory_space<semaphore_mem>>) src(%arg8 : memref<800x64xf32, #tpu.memory_space<vmem>>) dst(%dma_wait3A_94 : memref<800x64xf32, #tpu.memory_space<hbm>>)
    return
  }
}

module attributes {stable_mosaic.version = 14 : i64} {
  func.func @body(%arg0: i32, %arg1: memref<64x10240xf32, #tpu.memory_space<vmem>>, %arg2: memref<5120x128xf32, #tpu.memory_space<vmem>>) attributes {dimension_semantics = [#tpu.dimension_semantics<arbitrary>], iteration_bounds = array<i64: 98>, scalar_prefetch = 0 : i64, scratch_operands = 0 : i64, tpu.core_type = #tpu.core_type<tc>, window_params = [{transform_indices = @transform_0, window_bounds = array<i64: 64, 10240>}, {transform_indices = @transform_1, window_bounds = array<i64: 5120, 128>}]} {
    %get3A = arith.constant 0 : index
    %get3A_0 = arith.constant 0 : index
    %get3A_1 = vector.load %arg1[%get3A, %get3A_0] : memref<64x10240xf32, #tpu.memory_space<vmem>>, vector<64x10240xf32>
    %slice3A = vector.extract_strided_slice %get3A_1 {offsets = [0, 0], sizes = [64, 128], strides = [1, 1]} : vector<64x10240xf32> to vector<64x128xf32>
    %slice3A_2 = vector.extract_strided_slice %get3A_1 {offsets = [0, 128], sizes = [64, 128], strides = [1, 1]} : vector<64x10240xf32> to vector<64x128xf32>
    %concatenate3A = tpu.concatenate %slice3A, %slice3A_2 in 0 : vector<64x128xf32>, vector<64x128xf32> -> vector<128x128xf32>
    %transpose3A = tpu.transpose %concatenate3A, [1, 0] : vector<128x128xf32> -> vector<128x128xf32>
    %swap3A = arith.constant 0 : index
    %swap3A_3 = arith.constant 0 : index
    %swap3A_4 = vector.load %arg2[%swap3A, %swap3A_3] : memref<5120x128xf32, #tpu.memory_space<vmem>>, vector<128x128xf32>
    tpu.vector_store %arg2[%swap3A, %swap3A_3], %transpose3A {strides = array<i32>} : memref<5120x128xf32, #tpu.memory_space<vmem>>, vector<128x128xf32>,
    %slice3A_5 = vector.extract_strided_slice %get3A_1 {offsets = [0, 256], sizes = [64, 128], strides = [1, 1]} : vector<64x10240xf32> to vector<64x128xf32>
    %slice3A_6 = vector.extract_strided_slice %get3A_1 {offsets = [0, 384], sizes = [64, 128], strides = [1, 1]} : vector<64x10240xf32> to vector<64x128xf32>
    %concatenate3A_7 = tpu.concatenate %slice3A_5, %slice3A_6 in 0 : vector<64x128xf32>, vector<64x128xf32> -> vector<128x128xf32>
    %transpose3A_8 = tpu.transpose %concatenate3A_7, [1, 0] : vector<128x128xf32> -> vector<128x128xf32>
    %swap3A_9 = arith.constant 128 : index
    %swap3A_10 = arith.constant 0 : index
    %swap3A_11 = vector.load %arg2[%swap3A_9, %swap3A_10] : memref<5120x128xf32, #tpu.memory_space<vmem>>, vector<128x128xf32>
    tpu.vector_store %arg2[%swap3A_9, %swap3A_10], %transpose3A_8 {strides = array<i32>} : memref<5120x128xf32, #tpu.memory_space<vmem>>, vector<128x128xf32>,
    %slice3A_12 = vector.extract_strided_slice %get3A_1 {offsets = [0, 512], sizes = [64, 128], strides = [1, 1]} : vector<64x10240xf32> to vector<64x128xf32>
    %slice3A_13 = vector.extract_strided_slice %get3A_1 {offsets = [0, 640], sizes = [64, 128], strides = [1, 1]} : vector<64x10240xf32> to vector<64x128xf32>
    %concatenate3A_14 = tpu.concatenate %slice3A_12, %slice3A_13 in 0 : vector<64x128xf32>, vector<64x128xf32> -> vector<128x128xf32>
    %transpose3A_15 = tpu.transpose %concatenate3A_14, [1, 0] : vector<128x128xf32> -> vector<128x128xf32>
    %swap3A_16 = arith.constant 256 : index
    %swap3A_17 = arith.constant 0 : index
    %swap3A_18 = vector.load %arg2[%swap3A_16, %swap3A_17] : memref<5120x128xf32, #tpu.memory_space<vmem>>, vector<128x128xf32>
    tpu.vector_store %arg2[%swap3A_16, %swap3A_17], %transpose3A_15 {strides = array<i32>} : memref<5120x128xf32, #tpu.memory_space<vmem>>, vector<128x128xf32>,
    %slice3A_19 = vector.extract_strided_slice %get3A_1 {offsets = [0, 768], sizes = [64, 128], strides = [1, 1]} : vector<64x10240xf32> to vector<64x128xf32>
    %slice3A_20 = vector.extract_strided_slice %get3A_1 {offsets = [0, 896], sizes = [64, 128], strides = [1, 1]} : vector<64x10240xf32> to vector<64x128xf32>
    %concatenate3A_21 = tpu.concatenate %slice3A_19, %slice3A_20 in 0 : vector<64x128xf32>, vector<64x128xf32> -> vector<128x128xf32>
    %transpose3A_22 = tpu.transpose %concatenate3A_21, [1, 0] : vector<128x128xf32> -> vector<128x128xf32>
    %swap3A_23 = arith.constant 384 : index
    %swap3A_24 = arith.constant 0 : index
    %swap3A_25 = vector.load %arg2[%swap3A_23, %swap3A_24] : memref<5120x128xf32, #tpu.memory_space<vmem>>, vector<128x128xf32>
    tpu.vector_store %arg2[%swap3A_23, %swap3A_24], %transpose3A_22 {strides = array<i32>} : memref<5120x128xf32, #tpu.memory_space<vmem>>, vector<128x128xf32>,
    %slice3A_26 = vector.extract_strided_slice %get3A_1 {offsets = [0, 1024], sizes = [64, 128], strides = [1, 1]} : vector<64x10240xf32> to vector<64x128xf32>
    %slice3A_27 = vector.extract_strided_slice %get3A_1 {offsets = [0, 1152], sizes = [64, 128], strides = [1, 1]} : vector<64x10240xf32> to vector<64x128xf32>
    %concatenate3A_28 = tpu.concatenate %slice3A_26, %slice3A_27 in 0 : vector<64x128xf32>, vector<64x128xf32> -> vector<128x128xf32>
    %transpose3A_29 = tpu.transpose %concatenate3A_28, [1, 0] : vector<128x128xf32> -> vector<128x128xf32>
    %swap3A_30 = arith.constant 512 : index
    %swap3A_31 = arith.constant 0 : index
    %swap3A_32 = vector.load %arg2[%swap3A_30, %swap3A_31] : memref<5120x128xf32, #tpu.memory_space<vmem>>, vector<128x128xf32>
    tpu.vector_store %arg2[%swap3A_30, %swap3A_31], %transpose3A_29 {strides = array<i32>} : memref<5120x128xf32, #tpu.memory_space<vmem>>, vector<128x128xf32>,
    %slice3A_33 = vector.extract_strided_slice %get3A_1 {offsets = [0, 1280], sizes = [64, 128], strides = [1, 1]} : vector<64x10240xf32> to vector<64x128xf32>
    %slice3A_34 = vector.extract_strided_slice %get3A_1 {offsets = [0, 1408], sizes = [64, 128], strides = [1, 1]} : vector<64x10240xf32> to vector<64x128xf32>
    %concatenate3A_35 = tpu.concatenate %slice3A_33, %slice3A_34 in 0 : vector<64x128xf32>, vector<64x128xf32> -> vector<128x128xf32>
    %transpose3A_36 = tpu.transpose %concatenate3A_35, [1, 0] : vector<128x128xf32> -> vector<128x128xf32>
    %swap3A_37 = arith.constant 640 : index
    %swap3A_38 = arith.constant 0 : index
    %swap3A_39 = vector.load %arg2[%swap3A_37, %swap3A_38] : memref<5120x128xf32, #tpu.memory_space<vmem>>, vector<128x128xf32>
    tpu.vector_store %arg2[%swap3A_37, %swap3A_38], %transpose3A_36 {strides = array<i32>} : memref<5120x128xf32, #tpu.memory_space<vmem>>, vector<128x128xf32>,
    %slice3A_40 = vector.extract_strided_slice %get3A_1 {offsets = [0, 1536], sizes = [64, 128], strides = [1, 1]} : vector<64x10240xf32> to vector<64x128xf32>
    %slice3A_41 = vector.extract_strided_slice %get3A_1 {offsets = [0, 1664], sizes = [64, 128], strides = [1, 1]} : vector<64x10240xf32> to vector<64x128xf32>
    %concatenate3A_42 = tpu.concatenate %slice3A_40, %slice3A_41 in 0 : vector<64x128xf32>, vector<64x128xf32> -> vector<128x128xf32>
    %transpose3A_43 = tpu.transpose %concatenate3A_42, [1, 0] : vector<128x128xf32> -> vector<128x128xf32>
    %swap3A_44 = arith.constant 768 : index
    %swap3A_45 = arith.constant 0 : index
    %swap3A_46 = vector.load %arg2[%swap3A_44, %swap3A_45] : memref<5120x128xf32, #tpu.memory_space<vmem>>, vector<128x128xf32>
    tpu.vector_store %arg2[%swap3A_44, %swap3A_45], %transpose3A_43 {strides = array<i32>} : memref<5120x128xf32, #tpu.memory_space<vmem>>, vector<128x128xf32>,
    %slice3A_47 = vector.extract_strided_slice %get3A_1 {offsets = [0, 1792], sizes = [64, 128], strides = [1, 1]} : vector<64x10240xf32> to vector<64x128xf32>
    %slice3A_48 = vector.extract_strided_slice %get3A_1 {offsets = [0, 1920], sizes = [64, 128], strides = [1, 1]} : vector<64x10240xf32> to vector<64x128xf32>
    %concatenate3A_49 = tpu.concatenate %slice3A_47, %slice3A_48 in 0 : vector<64x128xf32>, vector<64x128xf32> -> vector<128x128xf32>
    %transpose3A_50 = tpu.transpose %concatenate3A_49, [1, 0] : vector<128x128xf32> -> vector<128x128xf32>
    %swap3A_51 = arith.constant 896 : index
    %swap3A_52 = arith.constant 0 : index
    %swap3A_53 = vector.load %arg2[%swap3A_51, %swap3A_52] : memref<5120x128xf32, #tpu.memory_space<vmem>>, vector<128x128xf32>
    tpu.vector_store %arg2[%swap3A_51, %swap3A_52], %transpose3A_50 {strides = array<i32>} : memref<5120x128xf32, #tpu.memory_space<vmem>>, vector<128x128xf32>,
    %slice3A_54 = vector.extract_strided_slice %get3A_1 {offsets = [0, 2048], sizes = [64, 128], strides = [1, 1]} : vector<64x10240xf32> to vector<64x128xf32>
    %slice3A_55 = vector.extract_strided_slice %get3A_1 {offsets = [0, 2176], sizes = [64, 128], strides = [1, 1]} : vector<64x10240xf32> to vector<64x128xf32>
    %concatenate3A_56 = tpu.concatenate %slice3A_54, %slice3A_55 in 0 : vector<64x128xf32>, vector<64x128xf32> -> vector<128x128xf32>
    %transpose3A_57 = tpu.transpose %concatenate3A_56, [1, 0] : vector<128x128xf32> -> vector<128x128xf32>
    %swap3A_58 = arith.constant 1024 : index
    %swap3A_59 = arith.constant 0 : index
    %swap3A_60 = vector.load %arg2[%swap3A_58, %swap3A_59] : memref<5120x128xf32, #tpu.memory_space<vmem>>, vector<128x128xf32>
    tpu.vector_store %arg2[%swap3A_58, %swap3A_59], %transpose3A_57 {strides = array<i32>} : memref<5120x128xf32, #tpu.memory_space<vmem>>, vector<128x128xf32>,
    %slice3A_61 = vector.extract_strided_slice %get3A_1 {offsets = [0, 2304], sizes = [64, 128], strides = [1, 1]} : vector<64x10240xf32> to vector<64x128xf32>
    %slice3A_62 = vector.extract_strided_slice %get3A_1 {offsets = [0, 2432], sizes = [64, 128], strides = [1, 1]} : vector<64x10240xf32> to vector<64x128xf32>
    %concatenate3A_63 = tpu.concatenate %slice3A_61, %slice3A_62 in 0 : vector<64x128xf32>, vector<64x128xf32> -> vector<128x128xf32>
    %transpose3A_64 = tpu.transpose %concatenate3A_63, [1, 0] : vector<128x128xf32> -> vector<128x128xf32>
    %swap3A_65 = arith.constant 1152 : index
    %swap3A_66 = arith.constant 0 : index
    %swap3A_67 = vector.load %arg2[%swap3A_65, %swap3A_66] : memref<5120x128xf32, #tpu.memory_space<vmem>>, vector<128x128xf32>
    tpu.vector_store %arg2[%swap3A_65, %swap3A_66], %transpose3A_64 {strides = array<i32>} : memref<5120x128xf32, #tpu.memory_space<vmem>>, vector<128x128xf32>,
    %slice3A_68 = vector.extract_strided_slice %get3A_1 {offsets = [0, 2560], sizes = [64, 128], strides = [1, 1]} : vector<64x10240xf32> to vector<64x128xf32>
    %slice3A_69 = vector.extract_strided_slice %get3A_1 {offsets = [0, 2688], sizes = [64, 128], strides = [1, 1]} : vector<64x10240xf32> to vector<64x128xf32>
    %concatenate3A_70 = tpu.concatenate %slice3A_68, %slice3A_69 in 0 : vector<64x128xf32>, vector<64x128xf32> -> vector<128x128xf32>
    %transpose3A_71 = tpu.transpose %concatenate3A_70, [1, 0] : vector<128x128xf32> -> vector<128x128xf32>
    %swap3A_72 = arith.constant 1280 : index
    %swap3A_73 = arith.constant 0 : index
    %swap3A_74 = vector.load %arg2[%swap3A_72, %swap3A_73] : memref<5120x128xf32, #tpu.memory_space<vmem>>, vector<128x128xf32>
    tpu.vector_store %arg2[%swap3A_72, %swap3A_73], %transpose3A_71 {strides = array<i32>} : memref<5120x128xf32, #tpu.memory_space<vmem>>, vector<128x128xf32>,
    %slice3A_75 = vector.extract_strided_slice %get3A_1 {offsets = [0, 2816], sizes = [64, 128], strides = [1, 1]} : vector<64x10240xf32> to vector<64x128xf32>
    %slice3A_76 = vector.extract_strided_slice %get3A_1 {offsets = [0, 2944], sizes = [64, 128], strides = [1, 1]} : vector<64x10240xf32> to vector<64x128xf32>
    %concatenate3A_77 = tpu.concatenate %slice3A_75, %slice3A_76 in 0 : vector<64x128xf32>, vector<64x128xf32> -> vector<128x128xf32>
    %transpose3A_78 = tpu.transpose %concatenate3A_77, [1, 0] : vector<128x128xf32> -> vector<128x128xf32>
    %swap3A_79 = arith.constant 1408 : index
    %swap3A_80 = arith.constant 0 : index
    %swap3A_81 = vector.load %arg2[%swap3A_79, %swap3A_80] : memref<5120x128xf32, #tpu.memory_space<vmem>>, vector<128x128xf32>
    tpu.vector_store %arg2[%swap3A_79, %swap3A_80], %transpose3A_78 {strides = array<i32>} : memref<5120x128xf32, #tpu.memory_space<vmem>>, vector<128x128xf32>,
    %slice3A_82 = vector.extract_strided_slice %get3A_1 {offsets = [0, 3072], sizes = [64, 128], strides = [1, 1]} : vector<64x10240xf32> to vector<64x128xf32>
    %slice3A_83 = vector.extract_strided_slice %get3A_1 {offsets = [0, 3200], sizes = [64, 128], strides = [1, 1]} : vector<64x10240xf32> to vector<64x128xf32>
    %concatenate3A_84 = tpu.concatenate %slice3A_82, %slice3A_83 in 0 : vector<64x128xf32>, vector<64x128xf32> -> vector<128x128xf32>
    %transpose3A_85 = tpu.transpose %concatenate3A_84, [1, 0] : vector<128x128xf32> -> vector<128x128xf32>
    %swap3A_86 = arith.constant 1536 : index
    %swap3A_87 = arith.constant 0 : index
    %swap3A_88 = vector.load %arg2[%swap3A_86, %swap3A_87] : memref<5120x128xf32, #tpu.memory_space<vmem>>, vector<128x128xf32>
    tpu.vector_store %arg2[%swap3A_86, %swap3A_87], %transpose3A_85 {strides = array<i32>} : memref<5120x128xf32, #tpu.memory_space<vmem>>, vector<128x128xf32>,
    %slice3A_89 = vector.extract_strided_slice %get3A_1 {offsets = [0, 3328], sizes = [64, 128], strides = [1, 1]} : vector<64x10240xf32> to vector<64x128xf32>
    %slice3A_90 = vector.extract_strided_slice %get3A_1 {offsets = [0, 3456], sizes = [64, 128], strides = [1, 1]} : vector<64x10240xf32> to vector<64x128xf32>
    %concatenate3A_91 = tpu.concatenate %slice3A_89, %slice3A_90 in 0 : vector<64x128xf32>, vector<64x128xf32> -> vector<128x128xf32>
    %transpose3A_92 = tpu.transpose %concatenate3A_91, [1, 0] : vector<128x128xf32> -> vector<128x128xf32>
    %swap3A_93 = arith.constant 1664 : index
    %swap3A_94 = arith.constant 0 : index
    %swap3A_95 = vector.load %arg2[%swap3A_93, %swap3A_94] : memref<5120x128xf32, #tpu.memory_space<vmem>>, vector<128x128xf32>
    tpu.vector_store %arg2[%swap3A_93, %swap3A_94], %transpose3A_92 {strides = array<i32>} : memref<5120x128xf32, #tpu.memory_space<vmem>>, vector<128x128xf32>,
    %slice3A_96 = vector.extract_strided_slice %get3A_1 {offsets = [0, 3584], sizes = [64, 128], strides = [1, 1]} : vector<64x10240xf32> to vector<64x128xf32>
    %slice3A_97 = vector.extract_strided_slice %get3A_1 {offsets = [0, 3712], sizes = [64, 128], strides = [1, 1]} : vector<64x10240xf32> to vector<64x128xf32>
    %concatenate3A_98 = tpu.concatenate %slice3A_96, %slice3A_97 in 0 : vector<64x128xf32>, vector<64x128xf32> -> vector<128x128xf32>
    %transpose3A_99 = tpu.transpose %concatenate3A_98, [1, 0] : vector<128x128xf32> -> vector<128x128xf32>
    %swap3A_100 = arith.constant 1792 : index
    %swap3A_101 = arith.constant 0 : index
    %swap3A_102 = vector.load %arg2[%swap3A_100, %swap3A_101] : memref<5120x128xf32, #tpu.memory_space<vmem>>, vector<128x128xf32>
    tpu.vector_store %arg2[%swap3A_100, %swap3A_101], %transpose3A_99 {strides = array<i32>} : memref<5120x128xf32, #tpu.memory_space<vmem>>, vector<128x128xf32>,
    %slice3A_103 = vector.extract_strided_slice %get3A_1 {offsets = [0, 3840], sizes = [64, 128], strides = [1, 1]} : vector<64x10240xf32> to vector<64x128xf32>
    %slice3A_104 = vector.extract_strided_slice %get3A_1 {offsets = [0, 3968], sizes = [64, 128], strides = [1, 1]} : vector<64x10240xf32> to vector<64x128xf32>
    %concatenate3A_105 = tpu.concatenate %slice3A_103, %slice3A_104 in 0 : vector<64x128xf32>, vector<64x128xf32> -> vector<128x128xf32>
    %transpose3A_106 = tpu.transpose %concatenate3A_105, [1, 0] : vector<128x128xf32> -> vector<128x128xf32>
    %swap3A_107 = arith.constant 1920 : index
    %swap3A_108 = arith.constant 0 : index
    %swap3A_109 = vector.load %arg2[%swap3A_107, %swap3A_108] : memref<5120x128xf32, #tpu.memory_space<vmem>>, vector<128x128xf32>
    tpu.vector_store %arg2[%swap3A_107, %swap3A_108], %transpose3A_106 {strides = array<i32>} : memref<5120x128xf32, #tpu.memory_space<vmem>>, vector<128x128xf32>,
    %slice3A_110 = vector.extract_strided_slice %get3A_1 {offsets = [0, 4096], sizes = [64, 128], strides = [1, 1]} : vector<64x10240xf32> to vector<64x128xf32>
    %slice3A_111 = vector.extract_strided_slice %get3A_1 {offsets = [0, 4224], sizes = [64, 128], strides = [1, 1]} : vector<64x10240xf32> to vector<64x128xf32>
    %concatenate3A_112 = tpu.concatenate %slice3A_110, %slice3A_111 in 0 : vector<64x128xf32>, vector<64x128xf32> -> vector<128x128xf32>
    %transpose3A_113 = tpu.transpose %concatenate3A_112, [1, 0] : vector<128x128xf32> -> vector<128x128xf32>
    %swap3A_114 = arith.constant 2048 : index
    %swap3A_115 = arith.constant 0 : index
    %swap3A_116 = vector.load %arg2[%swap3A_114, %swap3A_115] : memref<5120x128xf32, #tpu.memory_space<vmem>>, vector<128x128xf32>
    tpu.vector_store %arg2[%swap3A_114, %swap3A_115], %transpose3A_113 {strides = array<i32>} : memref<5120x128xf32, #tpu.memory_space<vmem>>, vector<128x128xf32>,
    %slice3A_117 = vector.extract_strided_slice %get3A_1 {offsets = [0, 4352], sizes = [64, 128], strides = [1, 1]} : vector<64x10240xf32> to vector<64x128xf32>
    %slice3A_118 = vector.extract_strided_slice %get3A_1 {offsets = [0, 4480], sizes = [64, 128], strides = [1, 1]} : vector<64x10240xf32> to vector<64x128xf32>
    %concatenate3A_119 = tpu.concatenate %slice3A_117, %slice3A_118 in 0 : vector<64x128xf32>, vector<64x128xf32> -> vector<128x128xf32>
    %transpose3A_120 = tpu.transpose %concatenate3A_119, [1, 0] : vector<128x128xf32> -> vector<128x128xf32>
    %swap3A_121 = arith.constant 2176 : index
    %swap3A_122 = arith.constant 0 : index
    %swap3A_123 = vector.load %arg2[%swap3A_121, %swap3A_122] : memref<5120x128xf32, #tpu.memory_space<vmem>>, vector<128x128xf32>
    tpu.vector_store %arg2[%swap3A_121, %swap3A_122], %transpose3A_120 {strides = array<i32>} : memref<5120x128xf32, #tpu.memory_space<vmem>>, vector<128x128xf32>,
    %slice3A_124 = vector.extract_strided_slice %get3A_1 {offsets = [0, 4608], sizes = [64, 128], strides = [1, 1]} : vector<64x10240xf32> to vector<64x128xf32>
    %slice3A_125 = vector.extract_strided_slice %get3A_1 {offsets = [0, 4736], sizes = [64, 128], strides = [1, 1]} : vector<64x10240xf32> to vector<64x128xf32>
    %concatenate3A_126 = tpu.concatenate %slice3A_124, %slice3A_125 in 0 : vector<64x128xf32>, vector<64x128xf32> -> vector<128x128xf32>
    %transpose3A_127 = tpu.transpose %concatenate3A_126, [1, 0] : vector<128x128xf32> -> vector<128x128xf32>
    %swap3A_128 = arith.constant 2304 : index
    %swap3A_129 = arith.constant 0 : index
    %swap3A_130 = vector.load %arg2[%swap3A_128, %swap3A_129] : memref<5120x128xf32, #tpu.memory_space<vmem>>, vector<128x128xf32>
    tpu.vector_store %arg2[%swap3A_128, %swap3A_129], %transpose3A_127 {strides = array<i32>} : memref<5120x128xf32, #tpu.memory_space<vmem>>, vector<128x128xf32>,
    %slice3A_131 = vector.extract_strided_slice %get3A_1 {offsets = [0, 4864], sizes = [64, 128], strides = [1, 1]} : vector<64x10240xf32> to vector<64x128xf32>
    %slice3A_132 = vector.extract_strided_slice %get3A_1 {offsets = [0, 4992], sizes = [64, 128], strides = [1, 1]} : vector<64x10240xf32> to vector<64x128xf32>
    %concatenate3A_133 = tpu.concatenate %slice3A_131, %slice3A_132 in 0 : vector<64x128xf32>, vector<64x128xf32> -> vector<128x128xf32>
    %transpose3A_134 = tpu.transpose %concatenate3A_133, [1, 0] : vector<128x128xf32> -> vector<128x128xf32>
    %swap3A_135 = arith.constant 2432 : index
    %swap3A_136 = arith.constant 0 : index
    %swap3A_137 = vector.load %arg2[%swap3A_135, %swap3A_136] : memref<5120x128xf32, #tpu.memory_space<vmem>>, vector<128x128xf32>
    tpu.vector_store %arg2[%swap3A_135, %swap3A_136], %transpose3A_134 {strides = array<i32>} : memref<5120x128xf32, #tpu.memory_space<vmem>>, vector<128x128xf32>,
    %slice3A_138 = vector.extract_strided_slice %get3A_1 {offsets = [0, 5120], sizes = [64, 128], strides = [1, 1]} : vector<64x10240xf32> to vector<64x128xf32>
    %slice3A_139 = vector.extract_strided_slice %get3A_1 {offsets = [0, 5248], sizes = [64, 128], strides = [1, 1]} : vector<64x10240xf32> to vector<64x128xf32>
    %concatenate3A_140 = tpu.concatenate %slice3A_138, %slice3A_139 in 0 : vector<64x128xf32>, vector<64x128xf32> -> vector<128x128xf32>
    %transpose3A_141 = tpu.transpose %concatenate3A_140, [1, 0] : vector<128x128xf32> -> vector<128x128xf32>
    %swap3A_142 = arith.constant 2560 : index
    %swap3A_143 = arith.constant 0 : index
    %swap3A_144 = vector.load %arg2[%swap3A_142, %swap3A_143] : memref<5120x128xf32, #tpu.memory_space<vmem>>, vector<128x128xf32>
    tpu.vector_store %arg2[%swap3A_142, %swap3A_143], %transpose3A_141 {strides = array<i32>} : memref<5120x128xf32, #tpu.memory_space<vmem>>, vector<128x128xf32>,
    %slice3A_145 = vector.extract_strided_slice %get3A_1 {offsets = [0, 5376], sizes = [64, 128], strides = [1, 1]} : vector<64x10240xf32> to vector<64x128xf32>
    %slice3A_146 = vector.extract_strided_slice %get3A_1 {offsets = [0, 5504], sizes = [64, 128], strides = [1, 1]} : vector<64x10240xf32> to vector<64x128xf32>
    %concatenate3A_147 = tpu.concatenate %slice3A_145, %slice3A_146 in 0 : vector<64x128xf32>, vector<64x128xf32> -> vector<128x128xf32>
    %transpose3A_148 = tpu.transpose %concatenate3A_147, [1, 0] : vector<128x128xf32> -> vector<128x128xf32>
    %swap3A_149 = arith.constant 2688 : index
    %swap3A_150 = arith.constant 0 : index
    %swap3A_151 = vector.load %arg2[%swap3A_149, %swap3A_150] : memref<5120x128xf32, #tpu.memory_space<vmem>>, vector<128x128xf32>
    tpu.vector_store %arg2[%swap3A_149, %swap3A_150], %transpose3A_148 {strides = array<i32>} : memref<5120x128xf32, #tpu.memory_space<vmem>>, vector<128x128xf32>,
    %slice3A_152 = vector.extract_strided_slice %get3A_1 {offsets = [0, 5632], sizes = [64, 128], strides = [1, 1]} : vector<64x10240xf32> to vector<64x128xf32>
    %slice3A_153 = vector.extract_strided_slice %get3A_1 {offsets = [0, 5760], sizes = [64, 128], strides = [1, 1]} : vector<64x10240xf32> to vector<64x128xf32>
    %concatenate3A_154 = tpu.concatenate %slice3A_152, %slice3A_153 in 0 : vector<64x128xf32>, vector<64x128xf32> -> vector<128x128xf32>
    %transpose3A_155 = tpu.transpose %concatenate3A_154, [1, 0] : vector<128x128xf32> -> vector<128x128xf32>
    %swap3A_156 = arith.constant 2816 : index
    %swap3A_157 = arith.constant 0 : index
    %swap3A_158 = vector.load %arg2[%swap3A_156, %swap3A_157] : memref<5120x128xf32, #tpu.memory_space<vmem>>, vector<128x128xf32>
    tpu.vector_store %arg2[%swap3A_156, %swap3A_157], %transpose3A_155 {strides = array<i32>} : memref<5120x128xf32, #tpu.memory_space<vmem>>, vector<128x128xf32>,
    %slice3A_159 = vector.extract_strided_slice %get3A_1 {offsets = [0, 5888], sizes = [64, 128], strides = [1, 1]} : vector<64x10240xf32> to vector<64x128xf32>
    %slice3A_160 = vector.extract_strided_slice %get3A_1 {offsets = [0, 6016], sizes = [64, 128], strides = [1, 1]} : vector<64x10240xf32> to vector<64x128xf32>
    %concatenate3A_161 = tpu.concatenate %slice3A_159, %slice3A_160 in 0 : vector<64x128xf32>, vector<64x128xf32> -> vector<128x128xf32>
    %transpose3A_162 = tpu.transpose %concatenate3A_161, [1, 0] : vector<128x128xf32> -> vector<128x128xf32>
    %swap3A_163 = arith.constant 2944 : index
    %swap3A_164 = arith.constant 0 : index
    %swap3A_165 = vector.load %arg2[%swap3A_163, %swap3A_164] : memref<5120x128xf32, #tpu.memory_space<vmem>>, vector<128x128xf32>
    tpu.vector_store %arg2[%swap3A_163, %swap3A_164], %transpose3A_162 {strides = array<i32>} : memref<5120x128xf32, #tpu.memory_space<vmem>>, vector<128x128xf32>,
    %slice3A_166 = vector.extract_strided_slice %get3A_1 {offsets = [0, 6144], sizes = [64, 128], strides = [1, 1]} : vector<64x10240xf32> to vector<64x128xf32>
    %slice3A_167 = vector.extract_strided_slice %get3A_1 {offsets = [0, 6272], sizes = [64, 128], strides = [1, 1]} : vector<64x10240xf32> to vector<64x128xf32>
    %concatenate3A_168 = tpu.concatenate %slice3A_166, %slice3A_167 in 0 : vector<64x128xf32>, vector<64x128xf32> -> vector<128x128xf32>
    %transpose3A_169 = tpu.transpose %concatenate3A_168, [1, 0] : vector<128x128xf32> -> vector<128x128xf32>
    %swap3A_170 = arith.constant 3072 : index
    %swap3A_171 = arith.constant 0 : index
    %swap3A_172 = vector.load %arg2[%swap3A_170, %swap3A_171] : memref<5120x128xf32, #tpu.memory_space<vmem>>, vector<128x128xf32>
    tpu.vector_store %arg2[%swap3A_170, %swap3A_171], %transpose3A_169 {strides = array<i32>} : memref<5120x128xf32, #tpu.memory_space<vmem>>, vector<128x128xf32>,
    %slice3A_173 = vector.extract_strided_slice %get3A_1 {offsets = [0, 6400], sizes = [64, 128], strides = [1, 1]} : vector<64x10240xf32> to vector<64x128xf32>
    %slice3A_174 = vector.extract_strided_slice %get3A_1 {offsets = [0, 6528], sizes = [64, 128], strides = [1, 1]} : vector<64x10240xf32> to vector<64x128xf32>
    %concatenate3A_175 = tpu.concatenate %slice3A_173, %slice3A_174 in 0 : vector<64x128xf32>, vector<64x128xf32> -> vector<128x128xf32>
    %transpose3A_176 = tpu.transpose %concatenate3A_175, [1, 0] : vector<128x128xf32> -> vector<128x128xf32>
    %swap3A_177 = arith.constant 3200 : index
    %swap3A_178 = arith.constant 0 : index
    %swap3A_179 = vector.load %arg2[%swap3A_177, %swap3A_178] : memref<5120x128xf32, #tpu.memory_space<vmem>>, vector<128x128xf32>
    tpu.vector_store %arg2[%swap3A_177, %swap3A_178], %transpose3A_176 {strides = array<i32>} : memref<5120x128xf32, #tpu.memory_space<vmem>>, vector<128x128xf32>,
    %slice3A_180 = vector.extract_strided_slice %get3A_1 {offsets = [0, 6656], sizes = [64, 128], strides = [1, 1]} : vector<64x10240xf32> to vector<64x128xf32>
    %slice3A_181 = vector.extract_strided_slice %get3A_1 {offsets = [0, 6784], sizes = [64, 128], strides = [1, 1]} : vector<64x10240xf32> to vector<64x128xf32>
    %concatenate3A_182 = tpu.concatenate %slice3A_180, %slice3A_181 in 0 : vector<64x128xf32>, vector<64x128xf32> -> vector<128x128xf32>
    %transpose3A_183 = tpu.transpose %concatenate3A_182, [1, 0] : vector<128x128xf32> -> vector<128x128xf32>
    %swap3A_184 = arith.constant 3328 : index
    %swap3A_185 = arith.constant 0 : index
    %swap3A_186 = vector.load %arg2[%swap3A_184, %swap3A_185] : memref<5120x128xf32, #tpu.memory_space<vmem>>, vector<128x128xf32>
    tpu.vector_store %arg2[%swap3A_184, %swap3A_185], %transpose3A_183 {strides = array<i32>} : memref<5120x128xf32, #tpu.memory_space<vmem>>, vector<128x128xf32>,
    %slice3A_187 = vector.extract_strided_slice %get3A_1 {offsets = [0, 6912], sizes = [64, 128], strides = [1, 1]} : vector<64x10240xf32> to vector<64x128xf32>
    %slice3A_188 = vector.extract_strided_slice %get3A_1 {offsets = [0, 7040], sizes = [64, 128], strides = [1, 1]} : vector<64x10240xf32> to vector<64x128xf32>
    %concatenate3A_189 = tpu.concatenate %slice3A_187, %slice3A_188 in 0 : vector<64x128xf32>, vector<64x128xf32> -> vector<128x128xf32>
    %transpose3A_190 = tpu.transpose %concatenate3A_189, [1, 0] : vector<128x128xf32> -> vector<128x128xf32>
    %swap3A_191 = arith.constant 3456 : index
    %swap3A_192 = arith.constant 0 : index
    %swap3A_193 = vector.load %arg2[%swap3A_191, %swap3A_192] : memref<5120x128xf32, #tpu.memory_space<vmem>>, vector<128x128xf32>
    tpu.vector_store %arg2[%swap3A_191, %swap3A_192], %transpose3A_190 {strides = array<i32>} : memref<5120x128xf32, #tpu.memory_space<vmem>>, vector<128x128xf32>,
    %slice3A_194 = vector.extract_strided_slice %get3A_1 {offsets = [0, 7168], sizes = [64, 128], strides = [1, 1]} : vector<64x10240xf32> to vector<64x128xf32>
    %slice3A_195 = vector.extract_strided_slice %get3A_1 {offsets = [0, 7296], sizes = [64, 128], strides = [1, 1]} : vector<64x10240xf32> to vector<64x128xf32>
    %concatenate3A_196 = tpu.concatenate %slice3A_194, %slice3A_195 in 0 : vector<64x128xf32>, vector<64x128xf32> -> vector<128x128xf32>
    %transpose3A_197 = tpu.transpose %concatenate3A_196, [1, 0] : vector<128x128xf32> -> vector<128x128xf32>
    %swap3A_198 = arith.constant 3584 : index
    %swap3A_199 = arith.constant 0 : index
    %swap3A_200 = vector.load %arg2[%swap3A_198, %swap3A_199] : memref<5120x128xf32, #tpu.memory_space<vmem>>, vector<128x128xf32>
    tpu.vector_store %arg2[%swap3A_198, %swap3A_199], %transpose3A_197 {strides = array<i32>} : memref<5120x128xf32, #tpu.memory_space<vmem>>, vector<128x128xf32>,
    %slice3A_201 = vector.extract_strided_slice %get3A_1 {offsets = [0, 7424], sizes = [64, 128], strides = [1, 1]} : vector<64x10240xf32> to vector<64x128xf32>
    %slice3A_202 = vector.extract_strided_slice %get3A_1 {offsets = [0, 7552], sizes = [64, 128], strides = [1, 1]} : vector<64x10240xf32> to vector<64x128xf32>
    %concatenate3A_203 = tpu.concatenate %slice3A_201, %slice3A_202 in 0 : vector<64x128xf32>, vector<64x128xf32> -> vector<128x128xf32>
    %transpose3A_204 = tpu.transpose %concatenate3A_203, [1, 0] : vector<128x128xf32> -> vector<128x128xf32>
    %swap3A_205 = arith.constant 3712 : index
    %swap3A_206 = arith.constant 0 : index
    %swap3A_207 = vector.load %arg2[%swap3A_205, %swap3A_206] : memref<5120x128xf32, #tpu.memory_space<vmem>>, vector<128x128xf32>
    tpu.vector_store %arg2[%swap3A_205, %swap3A_206], %transpose3A_204 {strides = array<i32>} : memref<5120x128xf32, #tpu.memory_space<vmem>>, vector<128x128xf32>,
    %slice3A_208 = vector.extract_strided_slice %get3A_1 {offsets = [0, 7680], sizes = [64, 128], strides = [1, 1]} : vector<64x10240xf32> to vector<64x128xf32>
    %slice3A_209 = vector.extract_strided_slice %get3A_1 {offsets = [0, 7808], sizes = [64, 128], strides = [1, 1]} : vector<64x10240xf32> to vector<64x128xf32>
    %concatenate3A_210 = tpu.concatenate %slice3A_208, %slice3A_209 in 0 : vector<64x128xf32>, vector<64x128xf32> -> vector<128x128xf32>
    %transpose3A_211 = tpu.transpose %concatenate3A_210, [1, 0] : vector<128x128xf32> -> vector<128x128xf32>
    %swap3A_212 = arith.constant 3840 : index
    %swap3A_213 = arith.constant 0 : index
    %swap3A_214 = vector.load %arg2[%swap3A_212, %swap3A_213] : memref<5120x128xf32, #tpu.memory_space<vmem>>, vector<128x128xf32>
    tpu.vector_store %arg2[%swap3A_212, %swap3A_213], %transpose3A_211 {strides = array<i32>} : memref<5120x128xf32, #tpu.memory_space<vmem>>, vector<128x128xf32>,
    %slice3A_215 = vector.extract_strided_slice %get3A_1 {offsets = [0, 7936], sizes = [64, 128], strides = [1, 1]} : vector<64x10240xf32> to vector<64x128xf32>
    %slice3A_216 = vector.extract_strided_slice %get3A_1 {offsets = [0, 8064], sizes = [64, 128], strides = [1, 1]} : vector<64x10240xf32> to vector<64x128xf32>
    %concatenate3A_217 = tpu.concatenate %slice3A_215, %slice3A_216 in 0 : vector<64x128xf32>, vector<64x128xf32> -> vector<128x128xf32>
    %transpose3A_218 = tpu.transpose %concatenate3A_217, [1, 0] : vector<128x128xf32> -> vector<128x128xf32>
    %swap3A_219 = arith.constant 3968 : index
    %swap3A_220 = arith.constant 0 : index
    %swap3A_221 = vector.load %arg2[%swap3A_219, %swap3A_220] : memref<5120x128xf32, #tpu.memory_space<vmem>>, vector<128x128xf32>
    tpu.vector_store %arg2[%swap3A_219, %swap3A_220], %transpose3A_218 {strides = array<i32>} : memref<5120x128xf32, #tpu.memory_space<vmem>>, vector<128x128xf32>,
    %slice3A_222 = vector.extract_strided_slice %get3A_1 {offsets = [0, 8192], sizes = [64, 128], strides = [1, 1]} : vector<64x10240xf32> to vector<64x128xf32>
    %slice3A_223 = vector.extract_strided_slice %get3A_1 {offsets = [0, 8320], sizes = [64, 128], strides = [1, 1]} : vector<64x10240xf32> to vector<64x128xf32>
    %concatenate3A_224 = tpu.concatenate %slice3A_222, %slice3A_223 in 0 : vector<64x128xf32>, vector<64x128xf32> -> vector<128x128xf32>
    %transpose3A_225 = tpu.transpose %concatenate3A_224, [1, 0] : vector<128x128xf32> -> vector<128x128xf32>
    %swap3A_226 = arith.constant 4096 : index
    %swap3A_227 = arith.constant 0 : index
    %swap3A_228 = vector.load %arg2[%swap3A_226, %swap3A_227] : memref<5120x128xf32, #tpu.memory_space<vmem>>, vector<128x128xf32>
    tpu.vector_store %arg2[%swap3A_226, %swap3A_227], %transpose3A_225 {strides = array<i32>} : memref<5120x128xf32, #tpu.memory_space<vmem>>, vector<128x128xf32>,
    %slice3A_229 = vector.extract_strided_slice %get3A_1 {offsets = [0, 8448], sizes = [64, 128], strides = [1, 1]} : vector<64x10240xf32> to vector<64x128xf32>
    %slice3A_230 = vector.extract_strided_slice %get3A_1 {offsets = [0, 8576], sizes = [64, 128], strides = [1, 1]} : vector<64x10240xf32> to vector<64x128xf32>
    %concatenate3A_231 = tpu.concatenate %slice3A_229, %slice3A_230 in 0 : vector<64x128xf32>, vector<64x128xf32> -> vector<128x128xf32>
    %transpose3A_232 = tpu.transpose %concatenate3A_231, [1, 0] : vector<128x128xf32> -> vector<128x128xf32>
    %swap3A_233 = arith.constant 4224 : index
    %swap3A_234 = arith.constant 0 : index
    %swap3A_235 = vector.load %arg2[%swap3A_233, %swap3A_234] : memref<5120x128xf32, #tpu.memory_space<vmem>>, vector<128x128xf32>
    tpu.vector_store %arg2[%swap3A_233, %swap3A_234], %transpose3A_232 {strides = array<i32>} : memref<5120x128xf32, #tpu.memory_space<vmem>>, vector<128x128xf32>,
    %slice3A_236 = vector.extract_strided_slice %get3A_1 {offsets = [0, 8704], sizes = [64, 128], strides = [1, 1]} : vector<64x10240xf32> to vector<64x128xf32>
    %slice3A_237 = vector.extract_strided_slice %get3A_1 {offsets = [0, 8832], sizes = [64, 128], strides = [1, 1]} : vector<64x10240xf32> to vector<64x128xf32>
    %concatenate3A_238 = tpu.concatenate %slice3A_236, %slice3A_237 in 0 : vector<64x128xf32>, vector<64x128xf32> -> vector<128x128xf32>
    %transpose3A_239 = tpu.transpose %concatenate3A_238, [1, 0] : vector<128x128xf32> -> vector<128x128xf32>
    %swap3A_240 = arith.constant 4352 : index
    %swap3A_241 = arith.constant 0 : index
    %swap3A_242 = vector.load %arg2[%swap3A_240, %swap3A_241] : memref<5120x128xf32, #tpu.memory_space<vmem>>, vector<128x128xf32>
    tpu.vector_store %arg2[%swap3A_240, %swap3A_241], %transpose3A_239 {strides = array<i32>} : memref<5120x128xf32, #tpu.memory_space<vmem>>, vector<128x128xf32>,
    %slice3A_243 = vector.extract_strided_slice %get3A_1 {offsets = [0, 8960], sizes = [64, 128], strides = [1, 1]} : vector<64x10240xf32> to vector<64x128xf32>
    %slice3A_244 = vector.extract_strided_slice %get3A_1 {offsets = [0, 9088], sizes = [64, 128], strides = [1, 1]} : vector<64x10240xf32> to vector<64x128xf32>
    %concatenate3A_245 = tpu.concatenate %slice3A_243, %slice3A_244 in 0 : vector<64x128xf32>, vector<64x128xf32> -> vector<128x128xf32>
    %transpose3A_246 = tpu.transpose %concatenate3A_245, [1, 0] : vector<128x128xf32> -> vector<128x128xf32>
    %swap3A_247 = arith.constant 4480 : index
    %swap3A_248 = arith.constant 0 : index
    %swap3A_249 = vector.load %arg2[%swap3A_247, %swap3A_248] : memref<5120x128xf32, #tpu.memory_space<vmem>>, vector<128x128xf32>
    tpu.vector_store %arg2[%swap3A_247, %swap3A_248], %transpose3A_246 {strides = array<i32>} : memref<5120x128xf32, #tpu.memory_space<vmem>>, vector<128x128xf32>,
    %slice3A_250 = vector.extract_strided_slice %get3A_1 {offsets = [0, 9216], sizes = [64, 128], strides = [1, 1]} : vector<64x10240xf32> to vector<64x128xf32>
    %slice3A_251 = vector.extract_strided_slice %get3A_1 {offsets = [0, 9344], sizes = [64, 128], strides = [1, 1]} : vector<64x10240xf32> to vector<64x128xf32>
    %concatenate3A_252 = tpu.concatenate %slice3A_250, %slice3A_251 in 0 : vector<64x128xf32>, vector<64x128xf32> -> vector<128x128xf32>
    %transpose3A_253 = tpu.transpose %concatenate3A_252, [1, 0] : vector<128x128xf32> -> vector<128x128xf32>
    %swap3A_254 = arith.constant 4608 : index
    %swap3A_255 = arith.constant 0 : index
    %swap3A_256 = vector.load %arg2[%swap3A_254, %swap3A_255] : memref<5120x128xf32, #tpu.memory_space<vmem>>, vector<128x128xf32>
    tpu.vector_store %arg2[%swap3A_254, %swap3A_255], %transpose3A_253 {strides = array<i32>} : memref<5120x128xf32, #tpu.memory_space<vmem>>, vector<128x128xf32>,
    %slice3A_257 = vector.extract_strided_slice %get3A_1 {offsets = [0, 9472], sizes = [64, 128], strides = [1, 1]} : vector<64x10240xf32> to vector<64x128xf32>
    %slice3A_258 = vector.extract_strided_slice %get3A_1 {offsets = [0, 9600], sizes = [64, 128], strides = [1, 1]} : vector<64x10240xf32> to vector<64x128xf32>
    %concatenate3A_259 = tpu.concatenate %slice3A_257, %slice3A_258 in 0 : vector<64x128xf32>, vector<64x128xf32> -> vector<128x128xf32>
    %transpose3A_260 = tpu.transpose %concatenate3A_259, [1, 0] : vector<128x128xf32> -> vector<128x128xf32>
    %swap3A_261 = arith.constant 4736 : index
    %swap3A_262 = arith.constant 0 : index
    %swap3A_263 = vector.load %arg2[%swap3A_261, %swap3A_262] : memref<5120x128xf32, #tpu.memory_space<vmem>>, vector<128x128xf32>
    tpu.vector_store %arg2[%swap3A_261, %swap3A_262], %transpose3A_260 {strides = array<i32>} : memref<5120x128xf32, #tpu.memory_space<vmem>>, vector<128x128xf32>,
    %slice3A_264 = vector.extract_strided_slice %get3A_1 {offsets = [0, 9728], sizes = [64, 128], strides = [1, 1]} : vector<64x10240xf32> to vector<64x128xf32>
    %slice3A_265 = vector.extract_strided_slice %get3A_1 {offsets = [0, 9856], sizes = [64, 128], strides = [1, 1]} : vector<64x10240xf32> to vector<64x128xf32>
    %concatenate3A_266 = tpu.concatenate %slice3A_264, %slice3A_265 in 0 : vector<64x128xf32>, vector<64x128xf32> -> vector<128x128xf32>
    %transpose3A_267 = tpu.transpose %concatenate3A_266, [1, 0] : vector<128x128xf32> -> vector<128x128xf32>
    %swap3A_268 = arith.constant 4864 : index
    %swap3A_269 = arith.constant 0 : index
    %swap3A_270 = vector.load %arg2[%swap3A_268, %swap3A_269] : memref<5120x128xf32, #tpu.memory_space<vmem>>, vector<128x128xf32>
    tpu.vector_store %arg2[%swap3A_268, %swap3A_269], %transpose3A_267 {strides = array<i32>} : memref<5120x128xf32, #tpu.memory_space<vmem>>, vector<128x128xf32>,
    %slice3A_271 = vector.extract_strided_slice %get3A_1 {offsets = [0, 9984], sizes = [64, 128], strides = [1, 1]} : vector<64x10240xf32> to vector<64x128xf32>
    %slice3A_272 = vector.extract_strided_slice %get3A_1 {offsets = [0, 10112], sizes = [64, 128], strides = [1, 1]} : vector<64x10240xf32> to vector<64x128xf32>
    %concatenate3A_273 = tpu.concatenate %slice3A_271, %slice3A_272 in 0 : vector<64x128xf32>, vector<64x128xf32> -> vector<128x128xf32>
    %transpose3A_274 = tpu.transpose %concatenate3A_273, [1, 0] : vector<128x128xf32> -> vector<128x128xf32>
    %swap3A_275 = arith.constant 4992 : index
    %swap3A_276 = arith.constant 0 : index
    %swap3A_277 = vector.load %arg2[%swap3A_275, %swap3A_276] : memref<5120x128xf32, #tpu.memory_space<vmem>>, vector<128x128xf32>
    tpu.vector_store %arg2[%swap3A_275, %swap3A_276], %transpose3A_274 {strides = array<i32>} : memref<5120x128xf32, #tpu.memory_space<vmem>>, vector<128x128xf32>,
    return
  }
  func.func @transform_0(%arg0: i32) -> (i32, i32) {
    %c0_i32 = arith.constant 0 : i32
    %c0_i32_0 = arith.constant 0 : i32
    return %c0_i32, %arg0 : i32, i32
  }
  func.func @transform_1(%arg0: i32) -> (i32, i32) {
    %c0_i32 = arith.constant 0 : i32
    %c0_i32_0 = arith.constant 0 : i32
    return %arg0, %c0_i32 : i32, i32
  }
}

module attributes {stable_mosaic.version = 14 : i64} {
  func.func @body(%arg0: i32, %arg1: memref<1024x50xi32, #tpu.memory_space<vmem>>, %arg2: memref<1024x50xi32, #tpu.memory_space<vmem>>) attributes {dimension_semantics = [#tpu.dimension_semantics<arbitrary>], iteration_bounds = array<i64: 16>, scalar_prefetch = 0 : i64, scratch_operands = 0 : i64, tpu.core_type = #tpu.core_type<tc>, window_params = [{transform_indices = @transform_0, window_bounds = array<i64: 1024, 50>}, {transform_indices = @transform_1, window_bounds = array<i64: 1024, 50>}]} {
    %get3A = arith.constant 0 : index
    %get3A_0 = arith.constant 0 : index
    %get3A_1 = vector.load %arg1[%get3A, %get3A_0] : memref<1024x50xi32, #tpu.memory_space<vmem>>, vector<1024x50xi32>
    %ne3A = arith.constant 0 : i32
    %ne3A_2 = vector.broadcast %ne3A : i32 to vector<1024x50xi32>
    %ne3A_3 = arith.cmpi ne, %get3A_1, %ne3A_2 : vector<1024x50xi32>
    %swap3A = arith.constant 0 : index
    %swap3A_4 = arith.constant 0 : index
    %swap3A_5 = vector.load %arg2[%swap3A, %swap3A_4] : memref<1024x50xi32, #tpu.memory_space<vmem>>, vector<1024x50xi32>
    %swap3A_6 = arith.extui %ne3A_3 : vector<1024x50xi1> to vector<1024x50xi32>
    %swap3A_7 = arith.constant dense<0> : vector<1024x50xi32>
    %swap3A_8 = arith.cmpi ne, %swap3A_5, %swap3A_7 : vector<1024x50xi32>
    tpu.vector_store %arg2[%swap3A, %swap3A_4], %swap3A_6 {strides = array<i32>} : memref<1024x50xi32, #tpu.memory_space<vmem>>, vector<1024x50xi32>,
    return
  }
  func.func @transform_0(%arg0: i32) -> (i32, i32) {
    %c0_i32 = arith.constant 0 : i32
    %c0_i32_0 = arith.constant 0 : i32
    return %arg0, %c0_i32 : i32, i32
  }
  func.func @transform_1(%arg0: i32) -> (i32, i32) {
    %c0_i32 = arith.constant 0 : i32
    %c0_i32_0 = arith.constant 0 : i32
    return %arg0, %c0_i32 : i32, i32
  }
}

module attributes {stable_mosaic.version = 14 : i64} {
  func.func @body(%arg0: i32, %arg1: memref<3200x128xf32, #tpu.memory_space<vmem>>, %arg2: memref<25x128xf32, #tpu.memory_space<vmem>>, %arg3: memref<50x64x128xf32, #tpu.memory_space<vmem>>) attributes {dimension_semantics = [#tpu.dimension_semantics<arbitrary>], iteration_bounds = array<i64: 128>, scalar_prefetch = 0 : i64, scratch_operands = 0 : i64, tpu.core_type = #tpu.core_type<tc>, window_params = [{transform_indices = @transform_0, window_bounds = array<i64: 3200, 128>}, {pipeline_mode = #tpu.pipeline_mode<synchronous>, transform_indices = @transform_1, window_bounds = array<i64: 25, 128>}, {transform_indices = @transform_2, window_bounds = array<i64: 50, 64, 128>}]} {
    %get3A = arith.constant 0 : index
    %get3A_0 = arith.constant 0 : index
    %get3A_1 = vector.load %arg1[%get3A, %get3A_0] : memref<3200x128xf32, #tpu.memory_space<vmem>>, vector<3200x128xf32>
    %reshape3A = vector.shape_cast %get3A_1 : vector<3200x128xf32> to vector<128x25x128xf32>
    %mul3A = arith.constant 8.000000e+00 : f32
    %mul3A_2 = vector.broadcast %mul3A : f32 to vector<128x25x128xf32>
    %mul3A_3 = arith.mulf %reshape3A, %mul3A_2 : vector<128x25x128xf32>
    %get3A_4 = arith.constant 0 : index
    %get3A_5 = arith.constant 0 : index
    %get3A_6 = vector.load %arg2[%get3A_4, %get3A_5] : memref<25x128xf32, #tpu.memory_space<vmem>>, vector<25x128xf32>
    %broadcast_in_dim3A = vector.shape_cast %get3A_6 : vector<25x128xf32> to vector<1x25x128xf32>
    %add3A = vector.broadcast %broadcast_in_dim3A : vector<1x25x128xf32> to vector<128x25x128xf32>
    %add3A_7 = arith.addf %mul3A_3, %add3A : vector<128x25x128xf32>
    %slice3A = vector.extract_strided_slice %add3A_7 {offsets = [0, 0, 0], sizes = [128, 1, 128], strides = [1, 1, 1]} : vector<128x25x128xf32> to vector<128x1x128xf32>
    %squeeze3A = vector.shape_cast %slice3A : vector<128x1x128xf32> to vector<128x128xf32>
    %transpose3A = tpu.transpose %squeeze3A, [1, 0] : vector<128x128xf32> -> vector<128x128xf32>
    %slice3A_8 = vector.extract_strided_slice %transpose3A {offsets = [0, 0], sizes = [64, 128], strides = [1, 1]} : vector<128x128xf32> to vector<64x128xf32>
    %swap3A = arith.constant 0 : index
    %swap3A_9 = arith.constant 0 : index
    %swap3A_10 = arith.constant 0 : index
    %swap3A_11 = vector.load %arg3[%swap3A, %swap3A_9, %swap3A_10] : memref<50x64x128xf32, #tpu.memory_space<vmem>>, vector<1x64x128xf32>
    %swap3A_12 = vector.shape_cast %swap3A_11 : vector<1x64x128xf32> to vector<64x128xf32>
    %swap3A_13 = vector.shape_cast %slice3A_8 : vector<64x128xf32> to vector<1x64x128xf32>
    tpu.vector_store %arg3[%swap3A, %swap3A_9, %swap3A_10], %swap3A_13 {strides = array<i32>} : memref<50x64x128xf32, #tpu.memory_space<vmem>>, vector<1x64x128xf32>,
    %slice3A_14 = vector.extract_strided_slice %transpose3A {offsets = [64, 0], sizes = [64, 128], strides = [1, 1]} : vector<128x128xf32> to vector<64x128xf32>
    %swap3A_15 = arith.constant 25 : index
    %swap3A_16 = arith.constant 0 : index
    %swap3A_17 = arith.constant 0 : index
    %swap3A_18 = vector.load %arg3[%swap3A_15, %swap3A_16, %swap3A_17] : memref<50x64x128xf32, #tpu.memory_space<vmem>>, vector<1x64x128xf32>
    %swap3A_19 = vector.shape_cast %swap3A_18 : vector<1x64x128xf32> to vector<64x128xf32>
    %swap3A_20 = vector.shape_cast %slice3A_14 : vector<64x128xf32> to vector<1x64x128xf32>
    tpu.vector_store %arg3[%swap3A_15, %swap3A_16, %swap3A_17], %swap3A_20 {strides = array<i32>} : memref<50x64x128xf32, #tpu.memory_space<vmem>>, vector<1x64x128xf32>,
    %slice3A_21 = vector.extract_strided_slice %add3A_7 {offsets = [0, 1, 0], sizes = [128, 1, 128], strides = [1, 1, 1]} : vector<128x25x128xf32> to vector<128x1x128xf32>
    %squeeze3A_22 = vector.shape_cast %slice3A_21 : vector<128x1x128xf32> to vector<128x128xf32>
    %transpose3A_23 = tpu.transpose %squeeze3A_22, [1, 0] : vector<128x128xf32> -> vector<128x128xf32>
    %slice3A_24 = vector.extract_strided_slice %transpose3A_23 {offsets = [0, 0], sizes = [64, 128], strides = [1, 1]} : vector<128x128xf32> to vector<64x128xf32>
    %swap3A_25 = arith.constant 1 : index
    %swap3A_26 = arith.constant 0 : index
    %swap3A_27 = arith.constant 0 : index
    %swap3A_28 = vector.load %arg3[%swap3A_25, %swap3A_26, %swap3A_27] : memref<50x64x128xf32, #tpu.memory_space<vmem>>, vector<1x64x128xf32>
    %swap3A_29 = vector.shape_cast %swap3A_28 : vector<1x64x128xf32> to vector<64x128xf32>
    %swap3A_30 = vector.shape_cast %slice3A_24 : vector<64x128xf32> to vector<1x64x128xf32>
    tpu.vector_store %arg3[%swap3A_25, %swap3A_26, %swap3A_27], %swap3A_30 {strides = array<i32>} : memref<50x64x128xf32, #tpu.memory_space<vmem>>, vector<1x64x128xf32>,
    %slice3A_31 = vector.extract_strided_slice %transpose3A_23 {offsets = [64, 0], sizes = [64, 128], strides = [1, 1]} : vector<128x128xf32> to vector<64x128xf32>
    %swap3A_32 = arith.constant 26 : index
    %swap3A_33 = arith.constant 0 : index
    %swap3A_34 = arith.constant 0 : index
    %swap3A_35 = vector.load %arg3[%swap3A_32, %swap3A_33, %swap3A_34] : memref<50x64x128xf32, #tpu.memory_space<vmem>>, vector<1x64x128xf32>
    %swap3A_36 = vector.shape_cast %swap3A_35 : vector<1x64x128xf32> to vector<64x128xf32>
    %swap3A_37 = vector.shape_cast %slice3A_31 : vector<64x128xf32> to vector<1x64x128xf32>
    tpu.vector_store %arg3[%swap3A_32, %swap3A_33, %swap3A_34], %swap3A_37 {strides = array<i32>} : memref<50x64x128xf32, #tpu.memory_space<vmem>>, vector<1x64x128xf32>,
    %slice3A_38 = vector.extract_strided_slice %add3A_7 {offsets = [0, 2, 0], sizes = [128, 1, 128], strides = [1, 1, 1]} : vector<128x25x128xf32> to vector<128x1x128xf32>
    %squeeze3A_39 = vector.shape_cast %slice3A_38 : vector<128x1x128xf32> to vector<128x128xf32>
    %transpose3A_40 = tpu.transpose %squeeze3A_39, [1, 0] : vector<128x128xf32> -> vector<128x128xf32>
    %slice3A_41 = vector.extract_strided_slice %transpose3A_40 {offsets = [0, 0], sizes = [64, 128], strides = [1, 1]} : vector<128x128xf32> to vector<64x128xf32>
    %swap3A_42 = arith.constant 2 : index
    %swap3A_43 = arith.constant 0 : index
    %swap3A_44 = arith.constant 0 : index
    %swap3A_45 = vector.load %arg3[%swap3A_42, %swap3A_43, %swap3A_44] : memref<50x64x128xf32, #tpu.memory_space<vmem>>, vector<1x64x128xf32>
    %swap3A_46 = vector.shape_cast %swap3A_45 : vector<1x64x128xf32> to vector<64x128xf32>
    %swap3A_47 = vector.shape_cast %slice3A_41 : vector<64x128xf32> to vector<1x64x128xf32>
    tpu.vector_store %arg3[%swap3A_42, %swap3A_43, %swap3A_44], %swap3A_47 {strides = array<i32>} : memref<50x64x128xf32, #tpu.memory_space<vmem>>, vector<1x64x128xf32>,
    %slice3A_48 = vector.extract_strided_slice %transpose3A_40 {offsets = [64, 0], sizes = [64, 128], strides = [1, 1]} : vector<128x128xf32> to vector<64x128xf32>
    %swap3A_49 = arith.constant 27 : index
    %swap3A_50 = arith.constant 0 : index
    %swap3A_51 = arith.constant 0 : index
    %swap3A_52 = vector.load %arg3[%swap3A_49, %swap3A_50, %swap3A_51] : memref<50x64x128xf32, #tpu.memory_space<vmem>>, vector<1x64x128xf32>
    %swap3A_53 = vector.shape_cast %swap3A_52 : vector<1x64x128xf32> to vector<64x128xf32>
    %swap3A_54 = vector.shape_cast %slice3A_48 : vector<64x128xf32> to vector<1x64x128xf32>
    tpu.vector_store %arg3[%swap3A_49, %swap3A_50, %swap3A_51], %swap3A_54 {strides = array<i32>} : memref<50x64x128xf32, #tpu.memory_space<vmem>>, vector<1x64x128xf32>,
    %slice3A_55 = vector.extract_strided_slice %add3A_7 {offsets = [0, 3, 0], sizes = [128, 1, 128], strides = [1, 1, 1]} : vector<128x25x128xf32> to vector<128x1x128xf32>
    %squeeze3A_56 = vector.shape_cast %slice3A_55 : vector<128x1x128xf32> to vector<128x128xf32>
    %transpose3A_57 = tpu.transpose %squeeze3A_56, [1, 0] : vector<128x128xf32> -> vector<128x128xf32>
    %slice3A_58 = vector.extract_strided_slice %transpose3A_57 {offsets = [0, 0], sizes = [64, 128], strides = [1, 1]} : vector<128x128xf32> to vector<64x128xf32>
    %swap3A_59 = arith.constant 3 : index
    %swap3A_60 = arith.constant 0 : index
    %swap3A_61 = arith.constant 0 : index
    %swap3A_62 = vector.load %arg3[%swap3A_59, %swap3A_60, %swap3A_61] : memref<50x64x128xf32, #tpu.memory_space<vmem>>, vector<1x64x128xf32>
    %swap3A_63 = vector.shape_cast %swap3A_62 : vector<1x64x128xf32> to vector<64x128xf32>
    %swap3A_64 = vector.shape_cast %slice3A_58 : vector<64x128xf32> to vector<1x64x128xf32>
    tpu.vector_store %arg3[%swap3A_59, %swap3A_60, %swap3A_61], %swap3A_64 {strides = array<i32>} : memref<50x64x128xf32, #tpu.memory_space<vmem>>, vector<1x64x128xf32>,
    %slice3A_65 = vector.extract_strided_slice %transpose3A_57 {offsets = [64, 0], sizes = [64, 128], strides = [1, 1]} : vector<128x128xf32> to vector<64x128xf32>
    %swap3A_66 = arith.constant 28 : index
    %swap3A_67 = arith.constant 0 : index
    %swap3A_68 = arith.constant 0 : index
    %swap3A_69 = vector.load %arg3[%swap3A_66, %swap3A_67, %swap3A_68] : memref<50x64x128xf32, #tpu.memory_space<vmem>>, vector<1x64x128xf32>
    %swap3A_70 = vector.shape_cast %swap3A_69 : vector<1x64x128xf32> to vector<64x128xf32>
    %swap3A_71 = vector.shape_cast %slice3A_65 : vector<64x128xf32> to vector<1x64x128xf32>
    tpu.vector_store %arg3[%swap3A_66, %swap3A_67, %swap3A_68], %swap3A_71 {strides = array<i32>} : memref<50x64x128xf32, #tpu.memory_space<vmem>>, vector<1x64x128xf32>,
    %slice3A_72 = vector.extract_strided_slice %add3A_7 {offsets = [0, 4, 0], sizes = [128, 1, 128], strides = [1, 1, 1]} : vector<128x25x128xf32> to vector<128x1x128xf32>
    %squeeze3A_73 = vector.shape_cast %slice3A_72 : vector<128x1x128xf32> to vector<128x128xf32>
    %transpose3A_74 = tpu.transpose %squeeze3A_73, [1, 0] : vector<128x128xf32> -> vector<128x128xf32>
    %slice3A_75 = vector.extract_strided_slice %transpose3A_74 {offsets = [0, 0], sizes = [64, 128], strides = [1, 1]} : vector<128x128xf32> to vector<64x128xf32>
    %swap3A_76 = arith.constant 4 : index
    %swap3A_77 = arith.constant 0 : index
    %swap3A_78 = arith.constant 0 : index
    %swap3A_79 = vector.load %arg3[%swap3A_76, %swap3A_77, %swap3A_78] : memref<50x64x128xf32, #tpu.memory_space<vmem>>, vector<1x64x128xf32>
    %swap3A_80 = vector.shape_cast %swap3A_79 : vector<1x64x128xf32> to vector<64x128xf32>
    %swap3A_81 = vector.shape_cast %slice3A_75 : vector<64x128xf32> to vector<1x64x128xf32>
    tpu.vector_store %arg3[%swap3A_76, %swap3A_77, %swap3A_78], %swap3A_81 {strides = array<i32>} : memref<50x64x128xf32, #tpu.memory_space<vmem>>, vector<1x64x128xf32>,
    %slice3A_82 = vector.extract_strided_slice %transpose3A_74 {offsets = [64, 0], sizes = [64, 128], strides = [1, 1]} : vector<128x128xf32> to vector<64x128xf32>
    %swap3A_83 = arith.constant 29 : index
    %swap3A_84 = arith.constant 0 : index
    %swap3A_85 = arith.constant 0 : index
    %swap3A_86 = vector.load %arg3[%swap3A_83, %swap3A_84, %swap3A_85] : memref<50x64x128xf32, #tpu.memory_space<vmem>>, vector<1x64x128xf32>
    %swap3A_87 = vector.shape_cast %swap3A_86 : vector<1x64x128xf32> to vector<64x128xf32>
    %swap3A_88 = vector.shape_cast %slice3A_82 : vector<64x128xf32> to vector<1x64x128xf32>
    tpu.vector_store %arg3[%swap3A_83, %swap3A_84, %swap3A_85], %swap3A_88 {strides = array<i32>} : memref<50x64x128xf32, #tpu.memory_space<vmem>>, vector<1x64x128xf32>,
    %slice3A_89 = vector.extract_strided_slice %add3A_7 {offsets = [0, 5, 0], sizes = [128, 1, 128], strides = [1, 1, 1]} : vector<128x25x128xf32> to vector<128x1x128xf32>
    %squeeze3A_90 = vector.shape_cast %slice3A_89 : vector<128x1x128xf32> to vector<128x128xf32>
    %transpose3A_91 = tpu.transpose %squeeze3A_90, [1, 0] : vector<128x128xf32> -> vector<128x128xf32>
    %slice3A_92 = vector.extract_strided_slice %transpose3A_91 {offsets = [0, 0], sizes = [64, 128], strides = [1, 1]} : vector<128x128xf32> to vector<64x128xf32>
    %swap3A_93 = arith.constant 5 : index
    %swap3A_94 = arith.constant 0 : index
    %swap3A_95 = arith.constant 0 : index
    %swap3A_96 = vector.load %arg3[%swap3A_93, %swap3A_94, %swap3A_95] : memref<50x64x128xf32, #tpu.memory_space<vmem>>, vector<1x64x128xf32>
    %swap3A_97 = vector.shape_cast %swap3A_96 : vector<1x64x128xf32> to vector<64x128xf32>
    %swap3A_98 = vector.shape_cast %slice3A_92 : vector<64x128xf32> to vector<1x64x128xf32>
    tpu.vector_store %arg3[%swap3A_93, %swap3A_94, %swap3A_95], %swap3A_98 {strides = array<i32>} : memref<50x64x128xf32, #tpu.memory_space<vmem>>, vector<1x64x128xf32>,
    %slice3A_99 = vector.extract_strided_slice %transpose3A_91 {offsets = [64, 0], sizes = [64, 128], strides = [1, 1]} : vector<128x128xf32> to vector<64x128xf32>
    %swap3A_100 = arith.constant 30 : index
    %swap3A_101 = arith.constant 0 : index
    %swap3A_102 = arith.constant 0 : index
    %swap3A_103 = vector.load %arg3[%swap3A_100, %swap3A_101, %swap3A_102] : memref<50x64x128xf32, #tpu.memory_space<vmem>>, vector<1x64x128xf32>
    %swap3A_104 = vector.shape_cast %swap3A_103 : vector<1x64x128xf32> to vector<64x128xf32>
    %swap3A_105 = vector.shape_cast %slice3A_99 : vector<64x128xf32> to vector<1x64x128xf32>
    tpu.vector_store %arg3[%swap3A_100, %swap3A_101, %swap3A_102], %swap3A_105 {strides = array<i32>} : memref<50x64x128xf32, #tpu.memory_space<vmem>>, vector<1x64x128xf32>,
    %slice3A_106 = vector.extract_strided_slice %add3A_7 {offsets = [0, 6, 0], sizes = [128, 1, 128], strides = [1, 1, 1]} : vector<128x25x128xf32> to vector<128x1x128xf32>
    %squeeze3A_107 = vector.shape_cast %slice3A_106 : vector<128x1x128xf32> to vector<128x128xf32>
    %transpose3A_108 = tpu.transpose %squeeze3A_107, [1, 0] : vector<128x128xf32> -> vector<128x128xf32>
    %slice3A_109 = vector.extract_strided_slice %transpose3A_108 {offsets = [0, 0], sizes = [64, 128], strides = [1, 1]} : vector<128x128xf32> to vector<64x128xf32>
    %swap3A_110 = arith.constant 6 : index
    %swap3A_111 = arith.constant 0 : index
    %swap3A_112 = arith.constant 0 : index
    %swap3A_113 = vector.load %arg3[%swap3A_110, %swap3A_111, %swap3A_112] : memref<50x64x128xf32, #tpu.memory_space<vmem>>, vector<1x64x128xf32>
    %swap3A_114 = vector.shape_cast %swap3A_113 : vector<1x64x128xf32> to vector<64x128xf32>
    %swap3A_115 = vector.shape_cast %slice3A_109 : vector<64x128xf32> to vector<1x64x128xf32>
    tpu.vector_store %arg3[%swap3A_110, %swap3A_111, %swap3A_112], %swap3A_115 {strides = array<i32>} : memref<50x64x128xf32, #tpu.memory_space<vmem>>, vector<1x64x128xf32>,
    %slice3A_116 = vector.extract_strided_slice %transpose3A_108 {offsets = [64, 0], sizes = [64, 128], strides = [1, 1]} : vector<128x128xf32> to vector<64x128xf32>
    %swap3A_117 = arith.constant 31 : index
    %swap3A_118 = arith.constant 0 : index
    %swap3A_119 = arith.constant 0 : index
    %swap3A_120 = vector.load %arg3[%swap3A_117, %swap3A_118, %swap3A_119] : memref<50x64x128xf32, #tpu.memory_space<vmem>>, vector<1x64x128xf32>
    %swap3A_121 = vector.shape_cast %swap3A_120 : vector<1x64x128xf32> to vector<64x128xf32>
    %swap3A_122 = vector.shape_cast %slice3A_116 : vector<64x128xf32> to vector<1x64x128xf32>
    tpu.vector_store %arg3[%swap3A_117, %swap3A_118, %swap3A_119], %swap3A_122 {strides = array<i32>} : memref<50x64x128xf32, #tpu.memory_space<vmem>>, vector<1x64x128xf32>,
    %slice3A_123 = vector.extract_strided_slice %add3A_7 {offsets = [0, 7, 0], sizes = [128, 1, 128], strides = [1, 1, 1]} : vector<128x25x128xf32> to vector<128x1x128xf32>
    %squeeze3A_124 = vector.shape_cast %slice3A_123 : vector<128x1x128xf32> to vector<128x128xf32>
    %transpose3A_125 = tpu.transpose %squeeze3A_124, [1, 0] : vector<128x128xf32> -> vector<128x128xf32>
    %slice3A_126 = vector.extract_strided_slice %transpose3A_125 {offsets = [0, 0], sizes = [64, 128], strides = [1, 1]} : vector<128x128xf32> to vector<64x128xf32>
    %swap3A_127 = arith.constant 7 : index
    %swap3A_128 = arith.constant 0 : index
    %swap3A_129 = arith.constant 0 : index
    %swap3A_130 = vector.load %arg3[%swap3A_127, %swap3A_128, %swap3A_129] : memref<50x64x128xf32, #tpu.memory_space<vmem>>, vector<1x64x128xf32>
    %swap3A_131 = vector.shape_cast %swap3A_130 : vector<1x64x128xf32> to vector<64x128xf32>
    %swap3A_132 = vector.shape_cast %slice3A_126 : vector<64x128xf32> to vector<1x64x128xf32>
    tpu.vector_store %arg3[%swap3A_127, %swap3A_128, %swap3A_129], %swap3A_132 {strides = array<i32>} : memref<50x64x128xf32, #tpu.memory_space<vmem>>, vector<1x64x128xf32>,
    %slice3A_133 = vector.extract_strided_slice %transpose3A_125 {offsets = [64, 0], sizes = [64, 128], strides = [1, 1]} : vector<128x128xf32> to vector<64x128xf32>
    %swap3A_134 = arith.constant 32 : index
    %swap3A_135 = arith.constant 0 : index
    %swap3A_136 = arith.constant 0 : index
    %swap3A_137 = vector.load %arg3[%swap3A_134, %swap3A_135, %swap3A_136] : memref<50x64x128xf32, #tpu.memory_space<vmem>>, vector<1x64x128xf32>
    %swap3A_138 = vector.shape_cast %swap3A_137 : vector<1x64x128xf32> to vector<64x128xf32>
    %swap3A_139 = vector.shape_cast %slice3A_133 : vector<64x128xf32> to vector<1x64x128xf32>
    tpu.vector_store %arg3[%swap3A_134, %swap3A_135, %swap3A_136], %swap3A_139 {strides = array<i32>} : memref<50x64x128xf32, #tpu.memory_space<vmem>>, vector<1x64x128xf32>,
    %slice3A_140 = vector.extract_strided_slice %add3A_7 {offsets = [0, 8, 0], sizes = [128, 1, 128], strides = [1, 1, 1]} : vector<128x25x128xf32> to vector<128x1x128xf32>
    %squeeze3A_141 = vector.shape_cast %slice3A_140 : vector<128x1x128xf32> to vector<128x128xf32>
    %transpose3A_142 = tpu.transpose %squeeze3A_141, [1, 0] : vector<128x128xf32> -> vector<128x128xf32>
    %slice3A_143 = vector.extract_strided_slice %transpose3A_142 {offsets = [0, 0], sizes = [64, 128], strides = [1, 1]} : vector<128x128xf32> to vector<64x128xf32>
    %swap3A_144 = arith.constant 8 : index
    %swap3A_145 = arith.constant 0 : index
    %swap3A_146 = arith.constant 0 : index
    %swap3A_147 = vector.load %arg3[%swap3A_144, %swap3A_145, %swap3A_146] : memref<50x64x128xf32, #tpu.memory_space<vmem>>, vector<1x64x128xf32>
    %swap3A_148 = vector.shape_cast %swap3A_147 : vector<1x64x128xf32> to vector<64x128xf32>
    %swap3A_149 = vector.shape_cast %slice3A_143 : vector<64x128xf32> to vector<1x64x128xf32>
    tpu.vector_store %arg3[%swap3A_144, %swap3A_145, %swap3A_146], %swap3A_149 {strides = array<i32>} : memref<50x64x128xf32, #tpu.memory_space<vmem>>, vector<1x64x128xf32>,
    %slice3A_150 = vector.extract_strided_slice %transpose3A_142 {offsets = [64, 0], sizes = [64, 128], strides = [1, 1]} : vector<128x128xf32> to vector<64x128xf32>
    %swap3A_151 = arith.constant 33 : index
    %swap3A_152 = arith.constant 0 : index
    %swap3A_153 = arith.constant 0 : index
    %swap3A_154 = vector.load %arg3[%swap3A_151, %swap3A_152, %swap3A_153] : memref<50x64x128xf32, #tpu.memory_space<vmem>>, vector<1x64x128xf32>
    %swap3A_155 = vector.shape_cast %swap3A_154 : vector<1x64x128xf32> to vector<64x128xf32>
    %swap3A_156 = vector.shape_cast %slice3A_150 : vector<64x128xf32> to vector<1x64x128xf32>
    tpu.vector_store %arg3[%swap3A_151, %swap3A_152, %swap3A_153], %swap3A_156 {strides = array<i32>} : memref<50x64x128xf32, #tpu.memory_space<vmem>>, vector<1x64x128xf32>,
    %slice3A_157 = vector.extract_strided_slice %add3A_7 {offsets = [0, 9, 0], sizes = [128, 1, 128], strides = [1, 1, 1]} : vector<128x25x128xf32> to vector<128x1x128xf32>
    %squeeze3A_158 = vector.shape_cast %slice3A_157 : vector<128x1x128xf32> to vector<128x128xf32>
    %transpose3A_159 = tpu.transpose %squeeze3A_158, [1, 0] : vector<128x128xf32> -> vector<128x128xf32>
    %slice3A_160 = vector.extract_strided_slice %transpose3A_159 {offsets = [0, 0], sizes = [64, 128], strides = [1, 1]} : vector<128x128xf32> to vector<64x128xf32>
    %swap3A_161 = arith.constant 9 : index
    %swap3A_162 = arith.constant 0 : index
    %swap3A_163 = arith.constant 0 : index
    %swap3A_164 = vector.load %arg3[%swap3A_161, %swap3A_162, %swap3A_163] : memref<50x64x128xf32, #tpu.memory_space<vmem>>, vector<1x64x128xf32>
    %swap3A_165 = vector.shape_cast %swap3A_164 : vector<1x64x128xf32> to vector<64x128xf32>
    %swap3A_166 = vector.shape_cast %slice3A_160 : vector<64x128xf32> to vector<1x64x128xf32>
    tpu.vector_store %arg3[%swap3A_161, %swap3A_162, %swap3A_163], %swap3A_166 {strides = array<i32>} : memref<50x64x128xf32, #tpu.memory_space<vmem>>, vector<1x64x128xf32>,
    %slice3A_167 = vector.extract_strided_slice %transpose3A_159 {offsets = [64, 0], sizes = [64, 128], strides = [1, 1]} : vector<128x128xf32> to vector<64x128xf32>
    %swap3A_168 = arith.constant 34 : index
    %swap3A_169 = arith.constant 0 : index
    %swap3A_170 = arith.constant 0 : index
    %swap3A_171 = vector.load %arg3[%swap3A_168, %swap3A_169, %swap3A_170] : memref<50x64x128xf32, #tpu.memory_space<vmem>>, vector<1x64x128xf32>
    %swap3A_172 = vector.shape_cast %swap3A_171 : vector<1x64x128xf32> to vector<64x128xf32>
    %swap3A_173 = vector.shape_cast %slice3A_167 : vector<64x128xf32> to vector<1x64x128xf32>
    tpu.vector_store %arg3[%swap3A_168, %swap3A_169, %swap3A_170], %swap3A_173 {strides = array<i32>} : memref<50x64x128xf32, #tpu.memory_space<vmem>>, vector<1x64x128xf32>,
    %slice3A_174 = vector.extract_strided_slice %add3A_7 {offsets = [0, 10, 0], sizes = [128, 1, 128], strides = [1, 1, 1]} : vector<128x25x128xf32> to vector<128x1x128xf32>
    %squeeze3A_175 = vector.shape_cast %slice3A_174 : vector<128x1x128xf32> to vector<128x128xf32>
    %transpose3A_176 = tpu.transpose %squeeze3A_175, [1, 0] : vector<128x128xf32> -> vector<128x128xf32>
    %slice3A_177 = vector.extract_strided_slice %transpose3A_176 {offsets = [0, 0], sizes = [64, 128], strides = [1, 1]} : vector<128x128xf32> to vector<64x128xf32>
    %swap3A_178 = arith.constant 10 : index
    %swap3A_179 = arith.constant 0 : index
    %swap3A_180 = arith.constant 0 : index
    %swap3A_181 = vector.load %arg3[%swap3A_178, %swap3A_179, %swap3A_180] : memref<50x64x128xf32, #tpu.memory_space<vmem>>, vector<1x64x128xf32>
    %swap3A_182 = vector.shape_cast %swap3A_181 : vector<1x64x128xf32> to vector<64x128xf32>
    %swap3A_183 = vector.shape_cast %slice3A_177 : vector<64x128xf32> to vector<1x64x128xf32>
    tpu.vector_store %arg3[%swap3A_178, %swap3A_179, %swap3A_180], %swap3A_183 {strides = array<i32>} : memref<50x64x128xf32, #tpu.memory_space<vmem>>, vector<1x64x128xf32>,
    %slice3A_184 = vector.extract_strided_slice %transpose3A_176 {offsets = [64, 0], sizes = [64, 128], strides = [1, 1]} : vector<128x128xf32> to vector<64x128xf32>
    %swap3A_185 = arith.constant 35 : index
    %swap3A_186 = arith.constant 0 : index
    %swap3A_187 = arith.constant 0 : index
    %swap3A_188 = vector.load %arg3[%swap3A_185, %swap3A_186, %swap3A_187] : memref<50x64x128xf32, #tpu.memory_space<vmem>>, vector<1x64x128xf32>
    %swap3A_189 = vector.shape_cast %swap3A_188 : vector<1x64x128xf32> to vector<64x128xf32>
    %swap3A_190 = vector.shape_cast %slice3A_184 : vector<64x128xf32> to vector<1x64x128xf32>
    tpu.vector_store %arg3[%swap3A_185, %swap3A_186, %swap3A_187], %swap3A_190 {strides = array<i32>} : memref<50x64x128xf32, #tpu.memory_space<vmem>>, vector<1x64x128xf32>,
    %slice3A_191 = vector.extract_strided_slice %add3A_7 {offsets = [0, 11, 0], sizes = [128, 1, 128], strides = [1, 1, 1]} : vector<128x25x128xf32> to vector<128x1x128xf32>
    %squeeze3A_192 = vector.shape_cast %slice3A_191 : vector<128x1x128xf32> to vector<128x128xf32>
    %transpose3A_193 = tpu.transpose %squeeze3A_192, [1, 0] : vector<128x128xf32> -> vector<128x128xf32>
    %slice3A_194 = vector.extract_strided_slice %transpose3A_193 {offsets = [0, 0], sizes = [64, 128], strides = [1, 1]} : vector<128x128xf32> to vector<64x128xf32>
    %swap3A_195 = arith.constant 11 : index
    %swap3A_196 = arith.constant 0 : index
    %swap3A_197 = arith.constant 0 : index
    %swap3A_198 = vector.load %arg3[%swap3A_195, %swap3A_196, %swap3A_197] : memref<50x64x128xf32, #tpu.memory_space<vmem>>, vector<1x64x128xf32>
    %swap3A_199 = vector.shape_cast %swap3A_198 : vector<1x64x128xf32> to vector<64x128xf32>
    %swap3A_200 = vector.shape_cast %slice3A_194 : vector<64x128xf32> to vector<1x64x128xf32>
    tpu.vector_store %arg3[%swap3A_195, %swap3A_196, %swap3A_197], %swap3A_200 {strides = array<i32>} : memref<50x64x128xf32, #tpu.memory_space<vmem>>, vector<1x64x128xf32>,
    %slice3A_201 = vector.extract_strided_slice %transpose3A_193 {offsets = [64, 0], sizes = [64, 128], strides = [1, 1]} : vector<128x128xf32> to vector<64x128xf32>
    %swap3A_202 = arith.constant 36 : index
    %swap3A_203 = arith.constant 0 : index
    %swap3A_204 = arith.constant 0 : index
    %swap3A_205 = vector.load %arg3[%swap3A_202, %swap3A_203, %swap3A_204] : memref<50x64x128xf32, #tpu.memory_space<vmem>>, vector<1x64x128xf32>
    %swap3A_206 = vector.shape_cast %swap3A_205 : vector<1x64x128xf32> to vector<64x128xf32>
    %swap3A_207 = vector.shape_cast %slice3A_201 : vector<64x128xf32> to vector<1x64x128xf32>
    tpu.vector_store %arg3[%swap3A_202, %swap3A_203, %swap3A_204], %swap3A_207 {strides = array<i32>} : memref<50x64x128xf32, #tpu.memory_space<vmem>>, vector<1x64x128xf32>,
    %slice3A_208 = vector.extract_strided_slice %add3A_7 {offsets = [0, 12, 0], sizes = [128, 1, 128], strides = [1, 1, 1]} : vector<128x25x128xf32> to vector<128x1x128xf32>
    %squeeze3A_209 = vector.shape_cast %slice3A_208 : vector<128x1x128xf32> to vector<128x128xf32>
    %transpose3A_210 = tpu.transpose %squeeze3A_209, [1, 0] : vector<128x128xf32> -> vector<128x128xf32>
    %slice3A_211 = vector.extract_strided_slice %transpose3A_210 {offsets = [0, 0], sizes = [64, 128], strides = [1, 1]} : vector<128x128xf32> to vector<64x128xf32>
    %swap3A_212 = arith.constant 12 : index
    %swap3A_213 = arith.constant 0 : index
    %swap3A_214 = arith.constant 0 : index
    %swap3A_215 = vector.load %arg3[%swap3A_212, %swap3A_213, %swap3A_214] : memref<50x64x128xf32, #tpu.memory_space<vmem>>, vector<1x64x128xf32>
    %swap3A_216 = vector.shape_cast %swap3A_215 : vector<1x64x128xf32> to vector<64x128xf32>
    %swap3A_217 = vector.shape_cast %slice3A_211 : vector<64x128xf32> to vector<1x64x128xf32>
    tpu.vector_store %arg3[%swap3A_212, %swap3A_213, %swap3A_214], %swap3A_217 {strides = array<i32>} : memref<50x64x128xf32, #tpu.memory_space<vmem>>, vector<1x64x128xf32>,
    %slice3A_218 = vector.extract_strided_slice %transpose3A_210 {offsets = [64, 0], sizes = [64, 128], strides = [1, 1]} : vector<128x128xf32> to vector<64x128xf32>
    %swap3A_219 = arith.constant 37 : index
    %swap3A_220 = arith.constant 0 : index
    %swap3A_221 = arith.constant 0 : index
    %swap3A_222 = vector.load %arg3[%swap3A_219, %swap3A_220, %swap3A_221] : memref<50x64x128xf32, #tpu.memory_space<vmem>>, vector<1x64x128xf32>
    %swap3A_223 = vector.shape_cast %swap3A_222 : vector<1x64x128xf32> to vector<64x128xf32>
    %swap3A_224 = vector.shape_cast %slice3A_218 : vector<64x128xf32> to vector<1x64x128xf32>
    tpu.vector_store %arg3[%swap3A_219, %swap3A_220, %swap3A_221], %swap3A_224 {strides = array<i32>} : memref<50x64x128xf32, #tpu.memory_space<vmem>>, vector<1x64x128xf32>,
    %slice3A_225 = vector.extract_strided_slice %add3A_7 {offsets = [0, 13, 0], sizes = [128, 1, 128], strides = [1, 1, 1]} : vector<128x25x128xf32> to vector<128x1x128xf32>
    %squeeze3A_226 = vector.shape_cast %slice3A_225 : vector<128x1x128xf32> to vector<128x128xf32>
    %transpose3A_227 = tpu.transpose %squeeze3A_226, [1, 0] : vector<128x128xf32> -> vector<128x128xf32>
    %slice3A_228 = vector.extract_strided_slice %transpose3A_227 {offsets = [0, 0], sizes = [64, 128], strides = [1, 1]} : vector<128x128xf32> to vector<64x128xf32>
    %swap3A_229 = arith.constant 13 : index
    %swap3A_230 = arith.constant 0 : index
    %swap3A_231 = arith.constant 0 : index
    %swap3A_232 = vector.load %arg3[%swap3A_229, %swap3A_230, %swap3A_231] : memref<50x64x128xf32, #tpu.memory_space<vmem>>, vector<1x64x128xf32>
    %swap3A_233 = vector.shape_cast %swap3A_232 : vector<1x64x128xf32> to vector<64x128xf32>
    %swap3A_234 = vector.shape_cast %slice3A_228 : vector<64x128xf32> to vector<1x64x128xf32>
    tpu.vector_store %arg3[%swap3A_229, %swap3A_230, %swap3A_231], %swap3A_234 {strides = array<i32>} : memref<50x64x128xf32, #tpu.memory_space<vmem>>, vector<1x64x128xf32>,
    %slice3A_235 = vector.extract_strided_slice %transpose3A_227 {offsets = [64, 0], sizes = [64, 128], strides = [1, 1]} : vector<128x128xf32> to vector<64x128xf32>
    %swap3A_236 = arith.constant 38 : index
    %swap3A_237 = arith.constant 0 : index
    %swap3A_238 = arith.constant 0 : index
    %swap3A_239 = vector.load %arg3[%swap3A_236, %swap3A_237, %swap3A_238] : memref<50x64x128xf32, #tpu.memory_space<vmem>>, vector<1x64x128xf32>
    %swap3A_240 = vector.shape_cast %swap3A_239 : vector<1x64x128xf32> to vector<64x128xf32>
    %swap3A_241 = vector.shape_cast %slice3A_235 : vector<64x128xf32> to vector<1x64x128xf32>
    tpu.vector_store %arg3[%swap3A_236, %swap3A_237, %swap3A_238], %swap3A_241 {strides = array<i32>} : memref<50x64x128xf32, #tpu.memory_space<vmem>>, vector<1x64x128xf32>,
    %slice3A_242 = vector.extract_strided_slice %add3A_7 {offsets = [0, 14, 0], sizes = [128, 1, 128], strides = [1, 1, 1]} : vector<128x25x128xf32> to vector<128x1x128xf32>
    %squeeze3A_243 = vector.shape_cast %slice3A_242 : vector<128x1x128xf32> to vector<128x128xf32>
    %transpose3A_244 = tpu.transpose %squeeze3A_243, [1, 0] : vector<128x128xf32> -> vector<128x128xf32>
    %slice3A_245 = vector.extract_strided_slice %transpose3A_244 {offsets = [0, 0], sizes = [64, 128], strides = [1, 1]} : vector<128x128xf32> to vector<64x128xf32>
    %swap3A_246 = arith.constant 14 : index
    %swap3A_247 = arith.constant 0 : index
    %swap3A_248 = arith.constant 0 : index
    %swap3A_249 = vector.load %arg3[%swap3A_246, %swap3A_247, %swap3A_248] : memref<50x64x128xf32, #tpu.memory_space<vmem>>, vector<1x64x128xf32>
    %swap3A_250 = vector.shape_cast %swap3A_249 : vector<1x64x128xf32> to vector<64x128xf32>
    %swap3A_251 = vector.shape_cast %slice3A_245 : vector<64x128xf32> to vector<1x64x128xf32>
    tpu.vector_store %arg3[%swap3A_246, %swap3A_247, %swap3A_248], %swap3A_251 {strides = array<i32>} : memref<50x64x128xf32, #tpu.memory_space<vmem>>, vector<1x64x128xf32>,
    %slice3A_252 = vector.extract_strided_slice %transpose3A_244 {offsets = [64, 0], sizes = [64, 128], strides = [1, 1]} : vector<128x128xf32> to vector<64x128xf32>
    %swap3A_253 = arith.constant 39 : index
    %swap3A_254 = arith.constant 0 : index
    %swap3A_255 = arith.constant 0 : index
    %swap3A_256 = vector.load %arg3[%swap3A_253, %swap3A_254, %swap3A_255] : memref<50x64x128xf32, #tpu.memory_space<vmem>>, vector<1x64x128xf32>
    %swap3A_257 = vector.shape_cast %swap3A_256 : vector<1x64x128xf32> to vector<64x128xf32>
    %swap3A_258 = vector.shape_cast %slice3A_252 : vector<64x128xf32> to vector<1x64x128xf32>
    tpu.vector_store %arg3[%swap3A_253, %swap3A_254, %swap3A_255], %swap3A_258 {strides = array<i32>} : memref<50x64x128xf32, #tpu.memory_space<vmem>>, vector<1x64x128xf32>,
    %slice3A_259 = vector.extract_strided_slice %add3A_7 {offsets = [0, 15, 0], sizes = [128, 1, 128], strides = [1, 1, 1]} : vector<128x25x128xf32> to vector<128x1x128xf32>
    %squeeze3A_260 = vector.shape_cast %slice3A_259 : vector<128x1x128xf32> to vector<128x128xf32>
    %transpose3A_261 = tpu.transpose %squeeze3A_260, [1, 0] : vector<128x128xf32> -> vector<128x128xf32>
    %slice3A_262 = vector.extract_strided_slice %transpose3A_261 {offsets = [0, 0], sizes = [64, 128], strides = [1, 1]} : vector<128x128xf32> to vector<64x128xf32>
    %swap3A_263 = arith.constant 15 : index
    %swap3A_264 = arith.constant 0 : index
    %swap3A_265 = arith.constant 0 : index
    %swap3A_266 = vector.load %arg3[%swap3A_263, %swap3A_264, %swap3A_265] : memref<50x64x128xf32, #tpu.memory_space<vmem>>, vector<1x64x128xf32>
    %swap3A_267 = vector.shape_cast %swap3A_266 : vector<1x64x128xf32> to vector<64x128xf32>
    %swap3A_268 = vector.shape_cast %slice3A_262 : vector<64x128xf32> to vector<1x64x128xf32>
    tpu.vector_store %arg3[%swap3A_263, %swap3A_264, %swap3A_265], %swap3A_268 {strides = array<i32>} : memref<50x64x128xf32, #tpu.memory_space<vmem>>, vector<1x64x128xf32>,
    %slice3A_269 = vector.extract_strided_slice %transpose3A_261 {offsets = [64, 0], sizes = [64, 128], strides = [1, 1]} : vector<128x128xf32> to vector<64x128xf32>
    %swap3A_270 = arith.constant 40 : index
    %swap3A_271 = arith.constant 0 : index
    %swap3A_272 = arith.constant 0 : index
    %swap3A_273 = vector.load %arg3[%swap3A_270, %swap3A_271, %swap3A_272] : memref<50x64x128xf32, #tpu.memory_space<vmem>>, vector<1x64x128xf32>
    %swap3A_274 = vector.shape_cast %swap3A_273 : vector<1x64x128xf32> to vector<64x128xf32>
    %swap3A_275 = vector.shape_cast %slice3A_269 : vector<64x128xf32> to vector<1x64x128xf32>
    tpu.vector_store %arg3[%swap3A_270, %swap3A_271, %swap3A_272], %swap3A_275 {strides = array<i32>} : memref<50x64x128xf32, #tpu.memory_space<vmem>>, vector<1x64x128xf32>,
    %slice3A_276 = vector.extract_strided_slice %add3A_7 {offsets = [0, 16, 0], sizes = [128, 1, 128], strides = [1, 1, 1]} : vector<128x25x128xf32> to vector<128x1x128xf32>
    %squeeze3A_277 = vector.shape_cast %slice3A_276 : vector<128x1x128xf32> to vector<128x128xf32>
    %transpose3A_278 = tpu.transpose %squeeze3A_277, [1, 0] : vector<128x128xf32> -> vector<128x128xf32>
    %slice3A_279 = vector.extract_strided_slice %transpose3A_278 {offsets = [0, 0], sizes = [64, 128], strides = [1, 1]} : vector<128x128xf32> to vector<64x128xf32>
    %swap3A_280 = arith.constant 16 : index
    %swap3A_281 = arith.constant 0 : index
    %swap3A_282 = arith.constant 0 : index
    %swap3A_283 = vector.load %arg3[%swap3A_280, %swap3A_281, %swap3A_282] : memref<50x64x128xf32, #tpu.memory_space<vmem>>, vector<1x64x128xf32>
    %swap3A_284 = vector.shape_cast %swap3A_283 : vector<1x64x128xf32> to vector<64x128xf32>
    %swap3A_285 = vector.shape_cast %slice3A_279 : vector<64x128xf32> to vector<1x64x128xf32>
    tpu.vector_store %arg3[%swap3A_280, %swap3A_281, %swap3A_282], %swap3A_285 {strides = array<i32>} : memref<50x64x128xf32, #tpu.memory_space<vmem>>, vector<1x64x128xf32>,
    %slice3A_286 = vector.extract_strided_slice %transpose3A_278 {offsets = [64, 0], sizes = [64, 128], strides = [1, 1]} : vector<128x128xf32> to vector<64x128xf32>
    %swap3A_287 = arith.constant 41 : index
    %swap3A_288 = arith.constant 0 : index
    %swap3A_289 = arith.constant 0 : index
    %swap3A_290 = vector.load %arg3[%swap3A_287, %swap3A_288, %swap3A_289] : memref<50x64x128xf32, #tpu.memory_space<vmem>>, vector<1x64x128xf32>
    %swap3A_291 = vector.shape_cast %swap3A_290 : vector<1x64x128xf32> to vector<64x128xf32>
    %swap3A_292 = vector.shape_cast %slice3A_286 : vector<64x128xf32> to vector<1x64x128xf32>
    tpu.vector_store %arg3[%swap3A_287, %swap3A_288, %swap3A_289], %swap3A_292 {strides = array<i32>} : memref<50x64x128xf32, #tpu.memory_space<vmem>>, vector<1x64x128xf32>,
    %slice3A_293 = vector.extract_strided_slice %add3A_7 {offsets = [0, 17, 0], sizes = [128, 1, 128], strides = [1, 1, 1]} : vector<128x25x128xf32> to vector<128x1x128xf32>
    %squeeze3A_294 = vector.shape_cast %slice3A_293 : vector<128x1x128xf32> to vector<128x128xf32>
    %transpose3A_295 = tpu.transpose %squeeze3A_294, [1, 0] : vector<128x128xf32> -> vector<128x128xf32>
    %slice3A_296 = vector.extract_strided_slice %transpose3A_295 {offsets = [0, 0], sizes = [64, 128], strides = [1, 1]} : vector<128x128xf32> to vector<64x128xf32>
    %swap3A_297 = arith.constant 17 : index
    %swap3A_298 = arith.constant 0 : index
    %swap3A_299 = arith.constant 0 : index
    %swap3A_300 = vector.load %arg3[%swap3A_297, %swap3A_298, %swap3A_299] : memref<50x64x128xf32, #tpu.memory_space<vmem>>, vector<1x64x128xf32>
    %swap3A_301 = vector.shape_cast %swap3A_300 : vector<1x64x128xf32> to vector<64x128xf32>
    %swap3A_302 = vector.shape_cast %slice3A_296 : vector<64x128xf32> to vector<1x64x128xf32>
    tpu.vector_store %arg3[%swap3A_297, %swap3A_298, %swap3A_299], %swap3A_302 {strides = array<i32>} : memref<50x64x128xf32, #tpu.memory_space<vmem>>, vector<1x64x128xf32>,
    %slice3A_303 = vector.extract_strided_slice %transpose3A_295 {offsets = [64, 0], sizes = [64, 128], strides = [1, 1]} : vector<128x128xf32> to vector<64x128xf32>
    %swap3A_304 = arith.constant 42 : index
    %swap3A_305 = arith.constant 0 : index
    %swap3A_306 = arith.constant 0 : index
    %swap3A_307 = vector.load %arg3[%swap3A_304, %swap3A_305, %swap3A_306] : memref<50x64x128xf32, #tpu.memory_space<vmem>>, vector<1x64x128xf32>
    %swap3A_308 = vector.shape_cast %swap3A_307 : vector<1x64x128xf32> to vector<64x128xf32>
    %swap3A_309 = vector.shape_cast %slice3A_303 : vector<64x128xf32> to vector<1x64x128xf32>
    tpu.vector_store %arg3[%swap3A_304, %swap3A_305, %swap3A_306], %swap3A_309 {strides = array<i32>} : memref<50x64x128xf32, #tpu.memory_space<vmem>>, vector<1x64x128xf32>,
    %slice3A_310 = vector.extract_strided_slice %add3A_7 {offsets = [0, 18, 0], sizes = [128, 1, 128], strides = [1, 1, 1]} : vector<128x25x128xf32> to vector<128x1x128xf32>
    %squeeze3A_311 = vector.shape_cast %slice3A_310 : vector<128x1x128xf32> to vector<128x128xf32>
    %transpose3A_312 = tpu.transpose %squeeze3A_311, [1, 0] : vector<128x128xf32> -> vector<128x128xf32>
    %slice3A_313 = vector.extract_strided_slice %transpose3A_312 {offsets = [0, 0], sizes = [64, 128], strides = [1, 1]} : vector<128x128xf32> to vector<64x128xf32>
    %swap3A_314 = arith.constant 18 : index
    %swap3A_315 = arith.constant 0 : index
    %swap3A_316 = arith.constant 0 : index
    %swap3A_317 = vector.load %arg3[%swap3A_314, %swap3A_315, %swap3A_316] : memref<50x64x128xf32, #tpu.memory_space<vmem>>, vector<1x64x128xf32>
    %swap3A_318 = vector.shape_cast %swap3A_317 : vector<1x64x128xf32> to vector<64x128xf32>
    %swap3A_319 = vector.shape_cast %slice3A_313 : vector<64x128xf32> to vector<1x64x128xf32>
    tpu.vector_store %arg3[%swap3A_314, %swap3A_315, %swap3A_316], %swap3A_319 {strides = array<i32>} : memref<50x64x128xf32, #tpu.memory_space<vmem>>, vector<1x64x128xf32>,
    %slice3A_320 = vector.extract_strided_slice %transpose3A_312 {offsets = [64, 0], sizes = [64, 128], strides = [1, 1]} : vector<128x128xf32> to vector<64x128xf32>
    %swap3A_321 = arith.constant 43 : index
    %swap3A_322 = arith.constant 0 : index
    %swap3A_323 = arith.constant 0 : index
    %swap3A_324 = vector.load %arg3[%swap3A_321, %swap3A_322, %swap3A_323] : memref<50x64x128xf32, #tpu.memory_space<vmem>>, vector<1x64x128xf32>
    %swap3A_325 = vector.shape_cast %swap3A_324 : vector<1x64x128xf32> to vector<64x128xf32>
    %swap3A_326 = vector.shape_cast %slice3A_320 : vector<64x128xf32> to vector<1x64x128xf32>
    tpu.vector_store %arg3[%swap3A_321, %swap3A_322, %swap3A_323], %swap3A_326 {strides = array<i32>} : memref<50x64x128xf32, #tpu.memory_space<vmem>>, vector<1x64x128xf32>,
    %slice3A_327 = vector.extract_strided_slice %add3A_7 {offsets = [0, 19, 0], sizes = [128, 1, 128], strides = [1, 1, 1]} : vector<128x25x128xf32> to vector<128x1x128xf32>
    %squeeze3A_328 = vector.shape_cast %slice3A_327 : vector<128x1x128xf32> to vector<128x128xf32>
    %transpose3A_329 = tpu.transpose %squeeze3A_328, [1, 0] : vector<128x128xf32> -> vector<128x128xf32>
    %slice3A_330 = vector.extract_strided_slice %transpose3A_329 {offsets = [0, 0], sizes = [64, 128], strides = [1, 1]} : vector<128x128xf32> to vector<64x128xf32>
    %swap3A_331 = arith.constant 19 : index
    %swap3A_332 = arith.constant 0 : index
    %swap3A_333 = arith.constant 0 : index
    %swap3A_334 = vector.load %arg3[%swap3A_331, %swap3A_332, %swap3A_333] : memref<50x64x128xf32, #tpu.memory_space<vmem>>, vector<1x64x128xf32>
    %swap3A_335 = vector.shape_cast %swap3A_334 : vector<1x64x128xf32> to vector<64x128xf32>
    %swap3A_336 = vector.shape_cast %slice3A_330 : vector<64x128xf32> to vector<1x64x128xf32>
    tpu.vector_store %arg3[%swap3A_331, %swap3A_332, %swap3A_333], %swap3A_336 {strides = array<i32>} : memref<50x64x128xf32, #tpu.memory_space<vmem>>, vector<1x64x128xf32>,
    %slice3A_337 = vector.extract_strided_slice %transpose3A_329 {offsets = [64, 0], sizes = [64, 128], strides = [1, 1]} : vector<128x128xf32> to vector<64x128xf32>
    %swap3A_338 = arith.constant 44 : index
    %swap3A_339 = arith.constant 0 : index
    %swap3A_340 = arith.constant 0 : index
    %swap3A_341 = vector.load %arg3[%swap3A_338, %swap3A_339, %swap3A_340] : memref<50x64x128xf32, #tpu.memory_space<vmem>>, vector<1x64x128xf32>
    %swap3A_342 = vector.shape_cast %swap3A_341 : vector<1x64x128xf32> to vector<64x128xf32>
    %swap3A_343 = vector.shape_cast %slice3A_337 : vector<64x128xf32> to vector<1x64x128xf32>
    tpu.vector_store %arg3[%swap3A_338, %swap3A_339, %swap3A_340], %swap3A_343 {strides = array<i32>} : memref<50x64x128xf32, #tpu.memory_space<vmem>>, vector<1x64x128xf32>,
    %slice3A_344 = vector.extract_strided_slice %add3A_7 {offsets = [0, 20, 0], sizes = [128, 1, 128], strides = [1, 1, 1]} : vector<128x25x128xf32> to vector<128x1x128xf32>
    %squeeze3A_345 = vector.shape_cast %slice3A_344 : vector<128x1x128xf32> to vector<128x128xf32>
    %transpose3A_346 = tpu.transpose %squeeze3A_345, [1, 0] : vector<128x128xf32> -> vector<128x128xf32>
    %slice3A_347 = vector.extract_strided_slice %transpose3A_346 {offsets = [0, 0], sizes = [64, 128], strides = [1, 1]} : vector<128x128xf32> to vector<64x128xf32>
    %swap3A_348 = arith.constant 20 : index
    %swap3A_349 = arith.constant 0 : index
    %swap3A_350 = arith.constant 0 : index
    %swap3A_351 = vector.load %arg3[%swap3A_348, %swap3A_349, %swap3A_350] : memref<50x64x128xf32, #tpu.memory_space<vmem>>, vector<1x64x128xf32>
    %swap3A_352 = vector.shape_cast %swap3A_351 : vector<1x64x128xf32> to vector<64x128xf32>
    %swap3A_353 = vector.shape_cast %slice3A_347 : vector<64x128xf32> to vector<1x64x128xf32>
    tpu.vector_store %arg3[%swap3A_348, %swap3A_349, %swap3A_350], %swap3A_353 {strides = array<i32>} : memref<50x64x128xf32, #tpu.memory_space<vmem>>, vector<1x64x128xf32>,
    %slice3A_354 = vector.extract_strided_slice %transpose3A_346 {offsets = [64, 0], sizes = [64, 128], strides = [1, 1]} : vector<128x128xf32> to vector<64x128xf32>
    %swap3A_355 = arith.constant 45 : index
    %swap3A_356 = arith.constant 0 : index
    %swap3A_357 = arith.constant 0 : index
    %swap3A_358 = vector.load %arg3[%swap3A_355, %swap3A_356, %swap3A_357] : memref<50x64x128xf32, #tpu.memory_space<vmem>>, vector<1x64x128xf32>
    %swap3A_359 = vector.shape_cast %swap3A_358 : vector<1x64x128xf32> to vector<64x128xf32>
    %swap3A_360 = vector.shape_cast %slice3A_354 : vector<64x128xf32> to vector<1x64x128xf32>
    tpu.vector_store %arg3[%swap3A_355, %swap3A_356, %swap3A_357], %swap3A_360 {strides = array<i32>} : memref<50x64x128xf32, #tpu.memory_space<vmem>>, vector<1x64x128xf32>,
    %slice3A_361 = vector.extract_strided_slice %add3A_7 {offsets = [0, 21, 0], sizes = [128, 1, 128], strides = [1, 1, 1]} : vector<128x25x128xf32> to vector<128x1x128xf32>
    %squeeze3A_362 = vector.shape_cast %slice3A_361 : vector<128x1x128xf32> to vector<128x128xf32>
    %transpose3A_363 = tpu.transpose %squeeze3A_362, [1, 0] : vector<128x128xf32> -> vector<128x128xf32>
    %slice3A_364 = vector.extract_strided_slice %transpose3A_363 {offsets = [0, 0], sizes = [64, 128], strides = [1, 1]} : vector<128x128xf32> to vector<64x128xf32>
    %swap3A_365 = arith.constant 21 : index
    %swap3A_366 = arith.constant 0 : index
    %swap3A_367 = arith.constant 0 : index
    %swap3A_368 = vector.load %arg3[%swap3A_365, %swap3A_366, %swap3A_367] : memref<50x64x128xf32, #tpu.memory_space<vmem>>, vector<1x64x128xf32>
    %swap3A_369 = vector.shape_cast %swap3A_368 : vector<1x64x128xf32> to vector<64x128xf32>
    %swap3A_370 = vector.shape_cast %slice3A_364 : vector<64x128xf32> to vector<1x64x128xf32>
    tpu.vector_store %arg3[%swap3A_365, %swap3A_366, %swap3A_367], %swap3A_370 {strides = array<i32>} : memref<50x64x128xf32, #tpu.memory_space<vmem>>, vector<1x64x128xf32>,
    %slice3A_371 = vector.extract_strided_slice %transpose3A_363 {offsets = [64, 0], sizes = [64, 128], strides = [1, 1]} : vector<128x128xf32> to vector<64x128xf32>
    %swap3A_372 = arith.constant 46 : index
    %swap3A_373 = arith.constant 0 : index
    %swap3A_374 = arith.constant 0 : index
    %swap3A_375 = vector.load %arg3[%swap3A_372, %swap3A_373, %swap3A_374] : memref<50x64x128xf32, #tpu.memory_space<vmem>>, vector<1x64x128xf32>
    %swap3A_376 = vector.shape_cast %swap3A_375 : vector<1x64x128xf32> to vector<64x128xf32>
    %swap3A_377 = vector.shape_cast %slice3A_371 : vector<64x128xf32> to vector<1x64x128xf32>
    tpu.vector_store %arg3[%swap3A_372, %swap3A_373, %swap3A_374], %swap3A_377 {strides = array<i32>} : memref<50x64x128xf32, #tpu.memory_space<vmem>>, vector<1x64x128xf32>,
    %slice3A_378 = vector.extract_strided_slice %add3A_7 {offsets = [0, 22, 0], sizes = [128, 1, 128], strides = [1, 1, 1]} : vector<128x25x128xf32> to vector<128x1x128xf32>
    %squeeze3A_379 = vector.shape_cast %slice3A_378 : vector<128x1x128xf32> to vector<128x128xf32>
    %transpose3A_380 = tpu.transpose %squeeze3A_379, [1, 0] : vector<128x128xf32> -> vector<128x128xf32>
    %slice3A_381 = vector.extract_strided_slice %transpose3A_380 {offsets = [0, 0], sizes = [64, 128], strides = [1, 1]} : vector<128x128xf32> to vector<64x128xf32>
    %swap3A_382 = arith.constant 22 : index
    %swap3A_383 = arith.constant 0 : index
    %swap3A_384 = arith.constant 0 : index
    %swap3A_385 = vector.load %arg3[%swap3A_382, %swap3A_383, %swap3A_384] : memref<50x64x128xf32, #tpu.memory_space<vmem>>, vector<1x64x128xf32>
    %swap3A_386 = vector.shape_cast %swap3A_385 : vector<1x64x128xf32> to vector<64x128xf32>
    %swap3A_387 = vector.shape_cast %slice3A_381 : vector<64x128xf32> to vector<1x64x128xf32>
    tpu.vector_store %arg3[%swap3A_382, %swap3A_383, %swap3A_384], %swap3A_387 {strides = array<i32>} : memref<50x64x128xf32, #tpu.memory_space<vmem>>, vector<1x64x128xf32>,
    %slice3A_388 = vector.extract_strided_slice %transpose3A_380 {offsets = [64, 0], sizes = [64, 128], strides = [1, 1]} : vector<128x128xf32> to vector<64x128xf32>
    %swap3A_389 = arith.constant 47 : index
    %swap3A_390 = arith.constant 0 : index
    %swap3A_391 = arith.constant 0 : index
    %swap3A_392 = vector.load %arg3[%swap3A_389, %swap3A_390, %swap3A_391] : memref<50x64x128xf32, #tpu.memory_space<vmem>>, vector<1x64x128xf32>
    %swap3A_393 = vector.shape_cast %swap3A_392 : vector<1x64x128xf32> to vector<64x128xf32>
    %swap3A_394 = vector.shape_cast %slice3A_388 : vector<64x128xf32> to vector<1x64x128xf32>
    tpu.vector_store %arg3[%swap3A_389, %swap3A_390, %swap3A_391], %swap3A_394 {strides = array<i32>} : memref<50x64x128xf32, #tpu.memory_space<vmem>>, vector<1x64x128xf32>,
    %slice3A_395 = vector.extract_strided_slice %add3A_7 {offsets = [0, 23, 0], sizes = [128, 1, 128], strides = [1, 1, 1]} : vector<128x25x128xf32> to vector<128x1x128xf32>
    %squeeze3A_396 = vector.shape_cast %slice3A_395 : vector<128x1x128xf32> to vector<128x128xf32>
    %transpose3A_397 = tpu.transpose %squeeze3A_396, [1, 0] : vector<128x128xf32> -> vector<128x128xf32>
    %slice3A_398 = vector.extract_strided_slice %transpose3A_397 {offsets = [0, 0], sizes = [64, 128], strides = [1, 1]} : vector<128x128xf32> to vector<64x128xf32>
    %swap3A_399 = arith.constant 23 : index
    %swap3A_400 = arith.constant 0 : index
    %swap3A_401 = arith.constant 0 : index
    %swap3A_402 = vector.load %arg3[%swap3A_399, %swap3A_400, %swap3A_401] : memref<50x64x128xf32, #tpu.memory_space<vmem>>, vector<1x64x128xf32>
    %swap3A_403 = vector.shape_cast %swap3A_402 : vector<1x64x128xf32> to vector<64x128xf32>
    %swap3A_404 = vector.shape_cast %slice3A_398 : vector<64x128xf32> to vector<1x64x128xf32>
    tpu.vector_store %arg3[%swap3A_399, %swap3A_400, %swap3A_401], %swap3A_404 {strides = array<i32>} : memref<50x64x128xf32, #tpu.memory_space<vmem>>, vector<1x64x128xf32>,
    %slice3A_405 = vector.extract_strided_slice %transpose3A_397 {offsets = [64, 0], sizes = [64, 128], strides = [1, 1]} : vector<128x128xf32> to vector<64x128xf32>
    %swap3A_406 = arith.constant 48 : index
    %swap3A_407 = arith.constant 0 : index
    %swap3A_408 = arith.constant 0 : index
    %swap3A_409 = vector.load %arg3[%swap3A_406, %swap3A_407, %swap3A_408] : memref<50x64x128xf32, #tpu.memory_space<vmem>>, vector<1x64x128xf32>
    %swap3A_410 = vector.shape_cast %swap3A_409 : vector<1x64x128xf32> to vector<64x128xf32>
    %swap3A_411 = vector.shape_cast %slice3A_405 : vector<64x128xf32> to vector<1x64x128xf32>
    tpu.vector_store %arg3[%swap3A_406, %swap3A_407, %swap3A_408], %swap3A_411 {strides = array<i32>} : memref<50x64x128xf32, #tpu.memory_space<vmem>>, vector<1x64x128xf32>,
    %slice3A_412 = vector.extract_strided_slice %add3A_7 {offsets = [0, 24, 0], sizes = [128, 1, 128], strides = [1, 1, 1]} : vector<128x25x128xf32> to vector<128x1x128xf32>
    %squeeze3A_413 = vector.shape_cast %slice3A_412 : vector<128x1x128xf32> to vector<128x128xf32>
    %transpose3A_414 = tpu.transpose %squeeze3A_413, [1, 0] : vector<128x128xf32> -> vector<128x128xf32>
    %slice3A_415 = vector.extract_strided_slice %transpose3A_414 {offsets = [0, 0], sizes = [64, 128], strides = [1, 1]} : vector<128x128xf32> to vector<64x128xf32>
    %swap3A_416 = arith.constant 24 : index
    %swap3A_417 = arith.constant 0 : index
    %swap3A_418 = arith.constant 0 : index
    %swap3A_419 = vector.load %arg3[%swap3A_416, %swap3A_417, %swap3A_418] : memref<50x64x128xf32, #tpu.memory_space<vmem>>, vector<1x64x128xf32>
    %swap3A_420 = vector.shape_cast %swap3A_419 : vector<1x64x128xf32> to vector<64x128xf32>
    %swap3A_421 = vector.shape_cast %slice3A_415 : vector<64x128xf32> to vector<1x64x128xf32>
    tpu.vector_store %arg3[%swap3A_416, %swap3A_417, %swap3A_418], %swap3A_421 {strides = array<i32>} : memref<50x64x128xf32, #tpu.memory_space<vmem>>, vector<1x64x128xf32>,
    %slice3A_422 = vector.extract_strided_slice %transpose3A_414 {offsets = [64, 0], sizes = [64, 128], strides = [1, 1]} : vector<128x128xf32> to vector<64x128xf32>
    %swap3A_423 = arith.constant 49 : index
    %swap3A_424 = arith.constant 0 : index
    %swap3A_425 = arith.constant 0 : index
    %swap3A_426 = vector.load %arg3[%swap3A_423, %swap3A_424, %swap3A_425] : memref<50x64x128xf32, #tpu.memory_space<vmem>>, vector<1x64x128xf32>
    %swap3A_427 = vector.shape_cast %swap3A_426 : vector<1x64x128xf32> to vector<64x128xf32>
    %swap3A_428 = vector.shape_cast %slice3A_422 : vector<64x128xf32> to vector<1x64x128xf32>
    tpu.vector_store %arg3[%swap3A_423, %swap3A_424, %swap3A_425], %swap3A_428 {strides = array<i32>} : memref<50x64x128xf32, #tpu.memory_space<vmem>>, vector<1x64x128xf32>,
    return
  }
  func.func @transform_0(%arg0: i32) -> (i32, i32) {
    %c0_i32 = arith.constant 0 : i32
    %c0_i32_0 = arith.constant 0 : i32
    return %arg0, %c0_i32 : i32, i32
  }
  func.func @transform_1(%arg0: i32) -> (i32, i32) {
    %c0_i32 = arith.constant 0 : i32
    %c0_i32_0 = arith.constant 0 : i32
    %c0_i32_1 = arith.constant 0 : i32
    return %c0_i32, %c0_i32_0 : i32, i32
  }
  func.func @transform_2(%arg0: i32) -> (i32, i32, i32) {
    %c0_i32 = arith.constant 0 : i32
    %c0_i32_0 = arith.constant 0 : i32
    %c0_i32_1 = arith.constant 0 : i32
    return %c0_i32, %c0_i32_0, %arg0 : i32, i32, i32
  }
}

</mosaic_0001>

<sc_bundles>
// kernel: kernel.6.cloned.1.call-start
scs
__scs_entry_jumppad:
0x0: {  	(pc) =	sbr.rel $0x88, $3  }
0x1: {  	(tag) =	ssettag $0x0;
	lr =	simm.s32 $0x1  }
0x2: {  	[smem:$0x3F9F] =	sst lr;
	_ =	strace $0xD0000000  }
0x3: {  	_ = 	snop  }
0x4: {  	_ = 	snop  }
0x5: {  	_ = 	snop  }
0x6: {  	_ = 	snop  }
0x7: {  	_ = 	snop  }
__scs_overlays_trampoline_lowered:
0x8: {  	[smem:$0x3FAE] =	sst s0  }
0x9: {  	[smem:$0x3FAF] =	sst s1  }
0xa: {  	[smem:$0x3FB0] =	sst s2  }
0xb: {  	[smem:$0x3FB1] =	sst s3  }
0xc: {  	[smem:$0x3FB2] =	sst s4  }
0xd: {  	[smem:$0x3FB3] =	sst s5  }
0xe: {  	[smem:$0x3FB4] =	sst s6  }
0xf: {  	[smem:$0x3FB5] =	sst s7  }
0x10: {  	[smem:$0x3FB6] =	sst s8  }
0x11: {  	[smem:$0x3FB7] =	sst s9;
	s0 =	simm.s32 @!p0 $0x0  }
0x12: {  	s1 =	sld [smem:$0x3F9D];
	s0 =	simm.s32 @p0 $0x1  }
0x13: {  	[smem:$0x3FB8] =	sst s0;
	s0 =	simm.s32 @!p1 $0x0  }
0x14: {  	s2 =	sld [smem:$0x3F9C];
	s0 =	simm.s32 @p1 $0x1  }
0x15: {  	[smem:$0x3FB9] =	sst s0;
	s0 =	simm.s32 @!p2 $0x0  }
0x16: {  	s3 =	sld [smem:$0x3FDB];
	s0 =	simm.s32 @p2 $0x1  }
0x17: {  	s4 =	simm.s32 $0x1BF5;
	[smem:$0x3FBB] =	sst s0  }
0x18: {  	s0 =	sld [smem:$0x3F9E];
	_ =	swait.ge [sflag:s4], $0x0  }
0x19: {  	s7 =	sld [smem:$0x3F9F]  }
0x1a: {  	s8 =	sadd.s32 $0xFFFFE003, lr  }
0x1b: {  	s9 =	sadd.s32 $0xFFFFFEF7, lr;
	s5 =	simm.s32 $0xFFFFFFFF;
	p2 =	slt.u32 s8, $0xFFFFF086  }
0x1c: {  	p1 =	slt.u32 s9, $0xF7A;
	s5 =	simm.s32 @!p2 $0x0  }
0x1d: {  	s5 =	simm.s32 @p1 $0x1;
	p0 =	seq.s32 s7, s2  }
0x1e: {  	s7 =	smul.u32 @!p0 $0xF7A, s2;
	p2 =	seq.s32 @!p0 s5, $0x0  }
0x1f: {  	s9 =	smul.u32 $0xF7A, s1;
	s8 =	simm.s32 @!p0 $0x1BF5;
	p2 =	por !p2, p0  }
0x20: {  	[sflag:s8] =	ssyncset.s32 @!p0 $0xFFFFF086;
	s6 =	sadd.s32 @!p0 s3, s7;
	s7 =	simm.s32 @!p0 $0x108  }
0x21: {  	s3 =	sadd.s32 s3, s9;
	s6 =	sadd.s32 @!p0 $0x88, s6;
	s7 =	simm.s32 @p2 $0x1082  }
0x22: {  	[simem:s7], [sflag:s8] =	dma.local @!p0 [hbm:s6], $0xF7A  }
0x23: {  	s9 =	sor.u32 $0xD0000000, s2;
	s6 =	simm.s32 $0x108;
	_ =	swait.ge @!p0 [sflag:s8], $0x0  }
0x24: {  	s3 =	sadd.s32 $0x88, s3;
	s6 =	simm.s32 @!p1 $0x1082;
	[sflag:s4] =	ssyncset.s32 $0xFFFFF086  }
0x25: {  	[simem:s6], [sflag:s4] =	dma.local [hbm:s3], $0xF7A  }
0x26: {  	[smem:$0x3F9F] =	sst s1;
	(tag) =	ssettag s2;
	_ =	strace s9  }
0x27: {  	s1 =	sld [smem:$0x3FAF]  }
0x28: {  	s2 =	sld [smem:$0x3FB0]  }
0x29: {  	s4 =	sld [smem:$0x3FB2]  }
0x2a: {  	p0 =	seq.s32 s5, $0x0;
	s5 =	sld [smem:$0x3FB3]  }
0x2b: {  	s6 =	sld [smem:$0x3FB4]  }
0x2c: {  	s7 =	sld [smem:$0x3FB5]  }
0x2d: {  	s3 =	simm.s32 $0x108;
	s8 =	sld [smem:$0x3FB6]  }
0x2e: {  	s3 =	simm.s32 @!p0 $0x1082;
	s9 =	sld [smem:$0x3FB7]  }
0x2f: {  	lr =	sadd.s32 s0, s3;
	s0 =	sld [smem:$0x3FAE]  }
0x30: {  	s3 =	sld [smem:$0x3FB1]  }
0x31: {  	[smem:$0x3FBA] =	sst s10  }
0x32: {  	s10 =	sld [smem:$0x3FB8];
	_ =	sdelay $0x3  }
0x33: {  	p0 =	seq.s32 s10, $0x1;
	s10 =	sld [smem:$0x3FBA];
	_ =	sdelay $0x3  }
0x34: {  	[smem:$0x3FBA] =	sst s10  }
0x35: {  	s10 =	sld [smem:$0x3FB9];
	_ =	sdelay $0x3  }
0x36: {  	p1 =	seq.s32 s10, $0x1;
	s10 =	sld [smem:$0x3FBA];
	_ =	sdelay $0x3  }
0x37: {  	[smem:$0x3FBA] =	sst s10  }
0x38: {  	s10 =	sld [smem:$0x3FBB]  }
0x39: {  	_ = 	snop;
	(pc) =	sbr.ind lr, $3  }
0x3a: {  	_ = 	snop  }
0x3b: {  	_ = 	snop  }
0x3c: {  	p2 =	seq.s32 s10, $0x1;
	s10 =	sld [smem:$0x3FBA]  }
0x3d: {  	_ =	shalt  }
0x3e: {  	_ =	shalt  }
0x3f: {  	_ =	shalt  }
0x40: {  	_ =	shalt  }
0x41: {  	_ =	shalt  }
0x42: {  	_ =	shalt  }
0x43: {  	_ =	shalt  }
0x44: {  	_ =	shalt  }
0x45: {  	_ =	shalt  }
0x46: {  	_ =	shalt  }
0x47: {  	_ =	shalt  }
0x48: {  	_ =	shalt  }
0x49: {  	_ =	shalt  }
0x4a: {  	_ =	shalt  }
0x4b: {  	_ =	shalt  }
0x4c: {  	_ =	shalt  }
0x4d: {  	_ =	shalt  }
0x4e: {  	_ =	shalt  }
0x4f: {  	_ =	shalt  }
0x50: {  	_ =	shalt  }
0x51: {  	_ =	shalt  }
0x52: {  	_ =	shalt  }
0x53: {  	_ =	shalt  }
0x54: {  	_ =	shalt  }
0x55: {  	_ =	shalt  }
0x56: {  	_ =	shalt  }
0x57: {  	_ =	shalt  }
0x58: {  	_ =	shalt  }
0x59: {  	_ =	shalt  }
0x5a: {  	_ =	shalt  }
0x5b: {  	_ =	shalt  }
0x5c: {  	_ =	shalt  }
0x5d: {  	_ =	shalt  }
0x5e: {  	_ =	shalt  }
0x5f: {  	_ =	shalt  }
0x60: {  	_ =	shalt  }
0x61: {  	_ =	shalt  }
0x62: {  	_ =	shalt  }
0x63: {  	_ =	shalt  }
0x64: {  	_ =	shalt  }
0x65: {  	_ =	shalt  }
0x66: {  	_ =	shalt  }
0x67: {  	_ =	shalt  }
0x68: {  	_ =	shalt  }
0x69: {  	_ =	shalt  }
0x6a: {  	_ =	shalt  }
0x6b: {  	_ =	shalt  }
0x6c: {  	_ =	shalt  }
0x6d: {  	_ =	shalt  }
0x6e: {  	_ =	shalt  }
0x6f: {  	_ =	shalt  }
0x70: {  	_ =	shalt  }
0x71: {  	_ =	shalt  }
0x72: {  	_ =	shalt  }
0x73: {  	_ =	shalt  }
0x74: {  	_ =	shalt  }
0x75: {  	_ =	shalt  }
0x76: {  	_ =	shalt  }
0x77: {  	_ =	shalt  }
0x78: {  	_ =	shalt  }
0x79: {  	_ =	shalt  }
0x7a: {  	_ =	shalt  }
0x7b: {  	_ =	shalt  }
0x7c: {  	_ =	shalt  }
0x7d: {  	_ =	shalt  }
0x7e: {  	_ =	shalt  }
0x7f: {  	_ =	shalt  }
0x80: {  	_ =	shalt  }
0x81: {  	_ =	shalt  }
0x82: {  	_ =	shalt  }
0x83: {  	_ =	shalt  }
0x84: {  	_ =	shalt  }
0x85: {  	_ =	shalt  }
0x86: {  	_ =	shalt  }
0x87: {  	_ =	shalt  }
.Lfunc_end0:
.L_simem_size_0:
called_computation_lowered:
.L_overlay_start_0:
0x88: {  	s2 =	sld [smem:$0x3FD9]  }
0x89: {  	s3 =	sld [smem:$0x3FFE];
	_ =	sdelay $0x1  }
0x8a: {  	s1 =	srdreg.scid  }
0x8b: {  	s0 =	sand.u32 $0x1, s1  }
0x8c: {  	s14 =	sshll.u32 s0, $0xA;
	s2 =	sadd.s32 s3, s2  }
0x8d: {  	s2 =	sadd.s32 s2, s14  }
0x8e: {  	[smem:$0x3FC6] =	sst s2  }
0x8f: {  	_ = 	snop  }
0x90: {  	s2 =	sld [smem:$0x3FD0];
	_ =	sdelay $0x2  }
0x91: {  	s15 =	simm.s32 $0xA;
	s4 =	simm.s32 $0x10  }
0x92: {  	[smem:s4], [sflag:s15] =	dma.local [hbm:s2], $0x1  }
0x93: {  	_ =	swait.eq [sflag:s15], $0x1  }
0x94: {  	[sflag:s15] =	ssyncset.done $0x0  }
0x95: {  	[sflag:s15] =	ssyncadd.s32 $0xFFFFFFFF  }
0x96: {  	s16 =	sld [smem:$0x10];
	(tm) =	ssettm $0x1  }
0x97: {  	s17 =	sld [smem:$0x3FFB];
	_ =	sdelay $0x3  }
0x98: {  	_ =	strace s17  }
0x99: {  	s3 =	sld [smem:$0x3FFC];
	_ =	sdelay $0x3  }
0x9a: {  	_ =	strace s3  }
0x9b: {  	s3 =	sld [smem:$0x3FFD];
	_ =	sdelay $0x3  }
0x9c: {  	_ =	strace s3  }
0x9d: {  	_ =	strace $0x8FFFFFFF  }
0x9e: {  	s18 =	sld [smem:$0x3FDB];
	_ =	sdelay $0x1  }
0x9f: {  	s19 =	simm.s32 $_scs_section_size  }
0xa0: {  	s5 =	simm.s32 $_size__tile_overlayer_lowered;
	s6 =	simm.s32 $_tile_overlayer_lowered  }
0xa1: {  	s22 =	simm.s32 $0x1BFF;
	s21 =	sshll.u32 s6, $0x1;
	s3 =	sadd.s32 s19, s18  }
0xa2: {  	s7 =	simm.s32 $0x0;
	s20 =	sshll.u32 s5, $0x1;
	s5 =	sadd.s32 s21, s3  }
0xa3: {  	[timem:s7], [sflag:s22] =	dma.local [hbm:s5], s20  }
0xa4: {  	_ =	swait.ge [sflag:s22], s20  }
0xa5: {  	s4 =	ssub.s32 $0x0, s20;
	[sflag:s22] =	ssyncset.done $0x0  }
0xa6: {  	[sflag:s22] =	ssyncadd.s32 s4;
	_ =	sdelay $0x1  }
0xa7: {  	s23 =	simm.s32 $0x1B8B  }
0xa8: {  	_ =	swait.ge [sflag:s23], $0x1  }
0xa9: {  	[sflag:s23] =	ssyncset.done $0x0  }
0xaa: {  	s25 =	simm.s32 $0x1B8E;
	s24 =	sld [smem:$0x3FFE];
	[sflag:s23] =	ssyncadd.s32 $0xFFFFFFFF  }
0xab: {  	s26 =	simm.s32 $execute0_lowered;
	[smem:$0x3FD2] =	sst s25  }
0xac: {  	s5 =	sshll.u32 s26, $0x1;
	_ =	strace $0x80000046;
	[dreg:$0x1] =	wrdreg $0xFFFFFFFF  }
0xad: {  	s28 =	simm.s32 $_size_execute0_lowered;
	s3 =	sadd.s32 s3, s5;
	[dreg:$0x0] =	wrdreg $0x0  }
0xae: {  	s5 =	sshll.u32 s28, $0x1;
	[dreg:$0x2] =	wrdreg s3  }
0xaf: {  	[dreg:$0x3] =	wrdreg s5  }
0xb0: {  	[dreg:$0x4] =	wrdreg $0xC0  }
0xb1: {  	_ =	task [dreg:s7], $0x5FFFF  }
0xb2: {  	[dreg:$0x1] =	wrdreg $0xFFFFFFFF  }
0xb3: {  	[dreg:$0x0] =	wrdreg $0x60  }
0xb4: {  	[dreg:$0x2] =	wrdreg s16  }
0xb5: {  	[dreg:$0x3] =	wrdreg s24  }
0xb6: {  	[dreg:$0x4] =	wrdreg $0x9  }
0xb7: {  	_ =	task.clear_ibuf [dreg:s7], $0x5FFFF;
	_ =	strace $0x90000046  }
0xb8: {  	s29 =	simm.s32 $0x9;
	_ =	strace $0x80000048  }
0xb9: {  	_ =	swait.ge [sflag:s29], $0x1  }
0xba: {  	[sflag:s29] =	ssyncadd.s32 $0xFFFFFFFF  }
0xbb: {  	_ =	strace $0x90000048  }
0xbc: {  	_ =	sfence  }
0xbd: {  	s30 =	sld [smem:$0x0];
	_ =	sdelay $0x2  }
0xbe: {  	s31 =	sshll.u32 s1, $0xD;
	s1 =	sshrl.u32 s1, $0x2  }
0xbf: {  	s3 =	sand.u32 $0x4000, s31;
	s1 =	sadd.s32 s1, s30  }
0xc0: {  	s0 =	sor.u32 s3, s0;
	s1 =	sshll.u32 s1, $0x11  }
0xc1: {  	s0 =	sor.u32 s1, s0  }
0xc2: {  	s0 =	sadd.s32 $0x8F2B, s0  }
0xc3: {  	[sflag:s0] =	ssyncadd.remote.s32 $0x1  }
0xc4: {  	_ =	sfence.sel $0xFFFF  }
0xc5: {  	[dreg:$0x0] =	wrdreg $0xFFFFFFFF;
	(pc) =	sbr.abs _section_cstart, $3  }
0xc6: {  	[dreg:$0x1] =	wrdreg $0xFFFFFFFF  }
0xc7: {  	_ =	task.clear_ibuf [dreg:s7], $0x2FFFF;
	_ =	strace $0x9FFFFFFF  }
0xc8: {  	(tm) =	ssettm $0x7FFFFFFF  }
0xc9: {  	_ =	shalt  }
tec
execute0_lowered:
.L_overlay_start_1:
0x0: {  	(tag) =	ssettag $0x1  }
0x1: {  	s1 =	rddreg [dreg:$0x0]  }
0x2: {  	s0 =	rddreg [dreg:$0x1];
	s3 =	simm.s32 $0x0;
	s2 =	srdreg.scid  }
0x3: {  	s10 =	stileid.u32;
	s12 =	simm.s32 $0xF640;
	[smem:$0x7FF] =	sst s3  }
0x4: {  	s13 =	simm.s32 $0x410;
	_ =	strace $0x80000047;
	[dreg:$0x8] =	wrdreg s12  }
0x5: {  	s14 =	simm.s32 $0x10A40;
	s15 =	simm.s32 $0x460;
	[dreg:$0x9] =	wrdreg s13  }
0x6: {  	s17 =	simm.s32 $0x11E40;
	s18 =	simm.s32 $0x4B0;
	[dreg:$0xa] =	wrdreg s14  }
0x7: {  	s19 =	simm.s32 $0x13240;
	s20 =	simm.s32 $0x500;
	[dreg:$0xb] =	wrdreg s15  }
0x8: {  	s21 =	simm.s32 $0x14640;
	s22 =	simm.s32 $0x550;
	[dreg:$0xc] =	wrdreg s17  }
0x9: {  	s23 =	simm.s32 $0x15A40;
	s24 =	simm.s32 $0x5A0;
	[dreg:$0xd] =	wrdreg s18  }
0xa: {  	s25 =	simm.s32 $0x16E40;
	s29 =	simm.s32 $0xBA40;
	[dreg:$0xe] =	wrdreg s19  }
0xb: {  	s30 =	simm.s32 $0x320;
	s31 =	simm.s32 $0xCE40;
	[dreg:$0xf] =	wrdreg s20  }
0xc: {  	s2 =	sand.u32 $0x1, s2;
	s5 =	smul.u32 $0xC800, s10;
	[dreg:$0x10] =	wrdreg s21  }
0xd: {  	s6 =	sshll.u32 s10, $0x1;
	s4 =	sadd.s32 $0xC00, s0;
	[dreg:$0x11] =	wrdreg s22  }
0xe: {  	s0 =	sadd.s32 $0x7A2000, s0;
	s10 =	smul.u32 $0x64000, s10;
	[dreg:$0x12] =	wrdreg s23  }
0xf: {  	s7 =	smul.u32 $0x6400, s2;
	s6 =	sor.u32 s2, s6;
	[dreg:$0x13] =	wrdreg s24  }
0x10: {  	s8 =	ssub.s32 $0x2, s2;
	s2 =	smul.u32 $0x32000, s2;
	[dreg:$0x14] =	wrdreg s25  }
0x11: {  	s6 =	smul.u32 $0x6400, s6;
	s26 =	sshrl.u32 s8, $0x1;
	s7 =	sadd.s32 s7, s5  }
0x12: {  	s8 =	ssub.s32 s8, s26;
	s26 =	simm.s32 $0x5F0;
	s9 =	sor.u32 $0x320, s7  }
0x13: {  	s6 =	sshrl.u32 s6, $0x3;
	[dreg:$0x15] =	wrdreg s26;
	s28 =	sshll.u32 s9, $0x3  }
0x14: {  	s5 =	sadd.s32 s1, s6;
	s6 =	smax.u32 s8, $0x1;
	s8 =	simm.s32 $0xE240  }
0x15: {  	s12 =	simm.s32 $0x0;
	s11 =	sadd.s32 s28, s0;
	[dreg:$0x6] =	wrdreg s8  }
0x16: {  	s0 =	sadd.s32 s10, s0;
	s28 =	simm.s32 $0x18240;
	[dreg:$0x3] =	wrdreg s11  }
0x17: {  	s16 =	sadd.s32 $0x640, s7;
	s0 =	sadd.s32 s2, s0;
	[dreg:$0x16] =	wrdreg s28  }
0x18: {  	s10 =	sshrl.u32 s9, $0x3;
	s2 =	simm.s32 $0x370;
	[dreg:$0x4] =	wrdreg s0  }
0x19: {  	s9 =	simm.s32 $0x3;
	s11 =	simm.s32 $0x3C0;
	[dreg:$0x5] =	wrdreg s2  }
0x1a: {  	s8 =	sadd.s32 s10, s1;
	s10 =	simm.s32 $0x50;
	[dreg:$0x7] =	wrdreg s11  }
0x1b: {  	s11 =	simm.s32 $0x640;
	s0 =	simm.s32 $0x1;
	s2 =	simm.s32 $0x2  }
.LBB2_1:
0x1c: {  	[tilespmem:s3], [sflag:$0x3] =	stream.linear.gather [hbm4b:s5+s3], $0x320, $0x38;
	[tilespmem:$0x19640] =	vst v63  }
0x1d: {  	_ =	swait.ge [sflag:s9], $0x320  }
0x1e: {  	[sflag:s9] =	ssyncset.done $0x0  }
0x1f: {  	[sflag:s9] =	ssyncadd.s32 $0xFFFFFCE0  }
0x20: {  	[tilespmem:s11], [sflag:$0x1] =	stream.indirect.gather [hbm4b:s4+s10], $0x40, s3, s10, $0xb8;
	[tilespmem:$0x19640] =	vst v63  }
0x21: {  	s7 =	simm.s32 $0x1A40  }
0x22: {  	[tilespmem:s7], [sflag:$0x1] =	stream.indirect.gather [hbm4b:s4+s10], $0x40, s10, s10, $0xb8;
	[tilespmem:$0x19640] =	vst v63  }
0x23: {  	s21 =	simm.s32 $0xA0;
	s13 =	simm.s32 $0x2E40  }
0x24: {  	[tilespmem:s13], [sflag:$0x1] =	stream.indirect.gather [hbm4b:s4+s10], $0x40, s21, s10, $0xb8;
	[tilespmem:$0x19640] =	vst v63  }
0x25: {  	s22 =	simm.s32 $0xF0;
	s23 =	simm.s32 $0x4240  }
0x26: {  	[tilespmem:s23], [sflag:$0x1] =	stream.indirect.gather [hbm4b:s4+s10], $0x40, s22, s10, $0xb8;
	[tilespmem:$0x19640] =	vst v63  }
0x27: {  	s24 =	simm.s32 $0x140;
	s25 =	simm.s32 $0x5640  }
0x28: {  	[tilespmem:s25], [sflag:$0x1] =	stream.indirect.gather [hbm4b:s4+s10], $0x40, s24, s10, $0xb8;
	[tilespmem:$0x19640] =	vst v63  }
0x29: {  	s26 =	simm.s32 $0x190;
	s28 =	simm.s32 $0x6A40  }
0x2a: {  	[tilespmem:s28], [sflag:$0x1] =	stream.indirect.gather [hbm4b:s4+s10], $0x40, s26, s10, $0xb8;
	[tilespmem:$0x19640] =	vst v63  }
0x2b: {  	s14 =	simm.s32 $0x1E0;
	s15 =	simm.s32 $0x7E40  }
0x2c: {  	[tilespmem:s15], [sflag:$0x1] =	stream.indirect.gather [hbm4b:s4+s10], $0x40, s14, s10, $0xb8;
	[tilespmem:$0x19640] =	vst v63  }
0x2d: {  	s17 =	simm.s32 $0x230;
	s18 =	simm.s32 $0x9240  }
0x2e: {  	[tilespmem:s18], [sflag:$0x1] =	stream.indirect.gather [hbm4b:s4+s10], $0x40, s17, s10, $0xb8;
	[tilespmem:$0x19640] =	vst v63  }
0x2f: {  	s19 =	simm.s32 $0x280;
	s20 =	simm.s32 $0xA640;
	p0 =	por $0x1, $0x1  }
0x30: {  	[tilespmem:s20], [sflag:$0x1] =	stream.indirect.gather [hbm4b:s4+s10], $0x40, s19, s10, $0xb8;
	[tilespmem:$0x19640] =	vst v63  }
0x31: {  	s7 =	simm.s32 @!p0 $0x2;
	s21 =	simm.s32 $0x2D0  }
0x32: {  	[tilespmem:s29], [sflag:$0x1] =	stream.indirect.gather [hbm4b:s4+s10], $0x40, s21, s10, $0xb8;
	[tilespmem:$0x19640] =	vst v63  }
0x33: {  	_ =	swait.ge @!p0 [sflag:s7], $0xC800  }
0x34: {  	[sflag:s7] =	ssyncset.done @!p0 $0x0  }
0x35: {  	[sflag:s7] =	ssyncadd.s32 @!p0 $0xFFFF3800  }
0x36: {  	[tilespmem:s30], [sflag:$0x3] =	stream.linear.gather [hbm4b:s8+s3], $0x320, $0x38;
	[tilespmem:$0x19640] =	vst v63  }
0x37: {  	_ =	swait.ge [sflag:s9], $0x320  }
0x38: {  	s22 =	rddreg [dreg:$0x7]  }
0x39: {  	s23 =	rddreg [dreg:$0x5]  }
0x3a: {  	s14 =	rddreg [dreg:$0x6]  }
0x3b: {  	s15 =	rddreg [dreg:$0x8]  }
0x3c: {  	s24 =	rddreg [dreg:$0x9]  }
0x3d: {  	s25 =	rddreg [dreg:$0xa]  }
0x3e: {  	s26 =	rddreg [dreg:$0xc]  }
0x3f: {  	[sflag:s9] =	ssyncset.done $0x0;
	s28 =	rddreg [dreg:$0xb]  }
0x40: {  	s17 =	rddreg [dreg:$0xe];
	[sflag:s9] =	ssyncadd.s32 $0xFFFFFCE0  }
0x41: {  	[tilespmem:s31], [sflag:$0x1] =	stream.indirect.gather [hbm4b:s4+s10], $0x40, s30, s10, $0xb8;
	[tilespmem:$0x19640] =	vst v63  }
0x42: {  	s18 =	rddreg [dreg:$0xd]  }
0x43: {  	[tilespmem:s14], [sflag:$0x1] =	stream.indirect.gather [hbm4b:s4+s10], $0x40, s23, s10, $0xb8;
	[tilespmem:$0x19640] =	vst v63  }
0x44: {  	s19 =	rddreg [dreg:$0x10]  }
0x45: {  	[tilespmem:s15], [sflag:$0x1] =	stream.indirect.gather [hbm4b:s4+s10], $0x40, s22, s10, $0xb8;
	[tilespmem:$0x19640] =	vst v63  }
0x46: {  	s20 =	rddreg [dreg:$0xf]  }
0x47: {  	[tilespmem:s25], [sflag:$0x1] =	stream.indirect.gather [hbm4b:s4+s10], $0x40, s24, s10, $0xb8;
	[tilespmem:$0x19640] =	vst v63  }
0x48: {  	s21 =	rddreg [dreg:$0x12]  }
0x49: {  	[tilespmem:s26], [sflag:$0x1] =	stream.indirect.gather [hbm4b:s4+s10], $0x40, s28, s10, $0xb8;
	[tilespmem:$0x19640] =	vst v63  }
0x4a: {  	s23 =	rddreg [dreg:$0x14]  }
0x4b: {  	[tilespmem:s17], [sflag:$0x1] =	stream.indirect.gather [hbm4b:s4+s10], $0x40, s18, s10, $0xb8;
	[tilespmem:$0x19640] =	vst v63  }
0x4c: {  	s22 =	rddreg [dreg:$0x11]  }
0x4d: {  	[tilespmem:s19], [sflag:$0x1] =	stream.indirect.gather [hbm4b:s4+s10], $0x40, s20, s10, $0xb8;
	[tilespmem:$0x19640] =	vst v63  }
0x4e: {  	s24 =	rddreg [dreg:$0x13]  }
0x4f: {  	[tilespmem:s21], [sflag:$0x1] =	stream.indirect.gather [hbm4b:s4+s10], $0x40, s22, s10, $0xb8;
	[tilespmem:$0x19640] =	vst v63  }
0x50: {  	s25 =	rddreg [dreg:$0x16]  }
0x51: {  	[tilespmem:s23], [sflag:$0x1] =	stream.indirect.gather [hbm4b:s4+s10], $0x40, s24, s10, $0xb8;
	[tilespmem:$0x19640] =	vst v63  }
0x52: {  	s26 =	rddreg [dreg:$0x15]  }
0x53: {  	[tilespmem:s25], [sflag:$0x1] =	stream.indirect.gather [hbm4b:s4+s10], $0x40, s26, s10, $0xb8;
	[tilespmem:$0x19640] =	vst v63  }
0x54: {  	_ =	swait.ge [sflag:s0], $0x1400  }
0x55: {  	[sflag:s0] =	ssyncset.done $0x0  }
0x56: {  	[sflag:s0] =	ssyncadd.s32 $0xFFFFEC00  }
0x57: {  	_ =	swait.ge [sflag:s0], $0x1400  }
0x58: {  	[sflag:s0] =	ssyncset.done $0x0  }
0x59: {  	[sflag:s0] =	ssyncadd.s32 $0xFFFFEC00  }
0x5a: {  	_ =	swait.ge [sflag:s0], $0x1400  }
0x5b: {  	[sflag:s0] =	ssyncset.done $0x0  }
0x5c: {  	[sflag:s0] =	ssyncadd.s32 $0xFFFFEC00  }
0x5d: {  	_ =	swait.ge [sflag:s0], $0x1400  }
0x5e: {  	[sflag:s0] =	ssyncset.done $0x0  }
0x5f: {  	[sflag:s0] =	ssyncadd.s32 $0xFFFFEC00  }
0x60: {  	_ =	swait.ge [sflag:s0], $0x1400  }
0x61: {  	[sflag:s0] =	ssyncset.done $0x0  }
0x62: {  	[sflag:s0] =	ssyncadd.s32 $0xFFFFEC00  }
0x63: {  	_ =	swait.ge [sflag:s0], $0x1400  }
0x64: {  	[sflag:s0] =	ssyncset.done $0x0  }
0x65: {  	[sflag:s0] =	ssyncadd.s32 $0xFFFFEC00  }
0x66: {  	_ =	swait.ge [sflag:s0], $0x1400  }
0x67: {  	[sflag:s0] =	ssyncset.done $0x0  }
0x68: {  	[sflag:s0] =	ssyncadd.s32 $0xFFFFEC00  }
0x69: {  	_ =	swait.ge [sflag:s0], $0x1400  }
0x6a: {  	[sflag:s0] =	ssyncset.done $0x0  }
0x6b: {  	[sflag:s0] =	ssyncadd.s32 $0xFFFFEC00  }
0x6c: {  	_ =	swait.ge [sflag:s0], $0x1400  }
0x6d: {  	[sflag:s0] =	ssyncset.done $0x0  }
0x6e: {  	[sflag:s0] =	ssyncadd.s32 $0xFFFFEC00  }
0x6f: {  	_ =	swait.ge [sflag:s0], $0x1400  }
0x70: {  	p0 =	por $0x0, $0x0;
	s28 =	rddreg [dreg:$0x4];
	[sflag:s0] =	ssyncset.done $0x0  }
0x71: {  	s13 =	simm.s32 @!p0 $0x2;
	[sflag:s0] =	ssyncadd.s32 $0xFFFFEC00;
	s7 =	sadd.s32 $0x0, s28  }
0x72: {  	[hbm4b:s7+s3] =	stream.linear.scatter [tilespmem:s11], [sflag:$0x2], $0xC800, $0x38;
	[tilespmem:$0x19640] =	vst v63  }
0x73: {  	_ =	swait.ge @!p0 [sflag:s13], $0xC800  }
0x74: {  	s14 =	simm.s32 @!p0 $0x0;
	s7 =	sshrl.u32 @!p0 s16, $0x3;
	[sflag:s13] =	ssyncset.done @!p0 $0x0  }
0x75: {  	s15 =	simm.s32 @!p0 $0x3;
	s7 =	sadd.s32 @!p0 s1, s7;
	[sflag:s13] =	ssyncadd.s32 @!p0 $0xFFFF3800  }
0x76: {  	[tilespmem:s14], [sflag:$0x3] =	stream.linear.gather @!p0 [hbm4b:s7+s14], $0x320, $0x38;
	[tilespmem:$0x19640] =	vst v63  }
0x77: {  	_ =	swait.ge @!p0 [sflag:s15], $0x320  }
0x78: {  	[sflag:s15] =	ssyncset.done @!p0 $0x0  }
0x79: {  	s13 =	simm.s32 @!p0 $0x640;
	s7 =	simm.s32 @!p0 $0x50;
	[sflag:s15] =	ssyncadd.s32 @!p0 $0xFFFFFCE0  }
0x7a: {  	[tilespmem:s13], [sflag:$0x1] =	stream.indirect.gather @!p0 [hbm4b:s4+s7], $0x40, s14, s7, $0xb8;
	[tilespmem:$0x19640] =	vst v63  }
0x7b: {  	s13 =	simm.s32 @!p0 $0x1A40  }
0x7c: {  	[tilespmem:s13], [sflag:$0x1] =	stream.indirect.gather @!p0 [hbm4b:s4+s7], $0x40, s7, s7, $0xb8;
	[tilespmem:$0x19640] =	vst v63  }
0x7d: {  	s14 =	simm.s32 @!p0 $0x2E40;
	s13 =	simm.s32 @!p0 $0xA0  }
0x7e: {  	[tilespmem:s14], [sflag:$0x1] =	stream.indirect.gather @!p0 [hbm4b:s4+s7], $0x40, s13, s7, $0xb8;
	[tilespmem:$0x19640] =	vst v63  }
0x7f: {  	s13 =	simm.s32 @!p0 $0xF0;
	s14 =	simm.s32 @!p0 $0x4240  }
0x80: {  	[tilespmem:s14], [sflag:$0x1] =	stream.indirect.gather @!p0 [hbm4b:s4+s7], $0x40, s13, s7, $0xb8;
	[tilespmem:$0x19640] =	vst v63  }
0x81: {  	s13 =	simm.s32 @!p0 $0x140;
	s14 =	simm.s32 @!p0 $0x5640  }
0x82: {  	[tilespmem:s14], [sflag:$0x1] =	stream.indirect.gather @!p0 [hbm4b:s4+s7], $0x40, s13, s7, $0xb8;
	[tilespmem:$0x19640] =	vst v63  }
0x83: {  	s13 =	simm.s32 @!p0 $0x190;
	s14 =	simm.s32 @!p0 $0x6A40  }
0x84: {  	[tilespmem:s14], [sflag:$0x1] =	stream.indirect.gather @!p0 [hbm4b:s4+s7], $0x40, s13, s7, $0xb8;
	[tilespmem:$0x19640] =	vst v63  }
0x85: {  	s13 =	simm.s32 @!p0 $0x1E0;
	s14 =	simm.s32 @!p0 $0x7E40  }
0x86: {  	[tilespmem:s14], [sflag:$0x1] =	stream.indirect.gather @!p0 [hbm4b:s4+s7], $0x40, s13, s7, $0xb8;
	[tilespmem:$0x19640] =	vst v63  }
0x87: {  	s13 =	simm.s32 @!p0 $0x230;
	s14 =	simm.s32 @!p0 $0x9240  }
0x88: {  	[tilespmem:s14], [sflag:$0x1] =	stream.indirect.gather @!p0 [hbm4b:s4+s7], $0x40, s13, s7, $0xb8;
	[tilespmem:$0x19640] =	vst v63  }
0x89: {  	s13 =	simm.s32 @!p0 $0x280;
	s14 =	simm.s32 @!p0 $0xA640  }
0x8a: {  	[tilespmem:s14], [sflag:$0x1] =	stream.indirect.gather @!p0 [hbm4b:s4+s7], $0x40, s13, s7, $0xb8;
	[tilespmem:$0x19640] =	vst v63  }
0x8b: {  	s13 =	simm.s32 @!p0 $0x2D0;
	s14 =	simm.s32 @!p0 $0xBA40  }
0x8c: {  	[tilespmem:s14], [sflag:$0x1] =	stream.indirect.gather @!p0 [hbm4b:s4+s7], $0x40, s13, s7, $0xb8;
	[tilespmem:$0x19640] =	vst v63  }
0x8d: {  	_ =	swait.ge [sflag:s0], $0x1400  }
0x8e: {  	[sflag:s0] =	ssyncset.done $0x0  }
0x8f: {  	[sflag:s0] =	ssyncadd.s32 $0xFFFFEC00  }
0x90: {  	_ =	swait.ge [sflag:s0], $0x1400  }
0x91: {  	[sflag:s0] =	ssyncset.done $0x0  }
0x92: {  	[sflag:s0] =	ssyncadd.s32 $0xFFFFEC00  }
0x93: {  	_ =	swait.ge [sflag:s0], $0x1400  }
0x94: {  	[sflag:s0] =	ssyncset.done $0x0  }
0x95: {  	[sflag:s0] =	ssyncadd.s32 $0xFFFFEC00  }
0x96: {  	_ =	swait.ge [sflag:s0], $0x1400  }
0x97: {  	[sflag:s0] =	ssyncset.done $0x0  }
0x98: {  	[sflag:s0] =	ssyncadd.s32 $0xFFFFEC00  }
0x99: {  	_ =	swait.ge [sflag:s0], $0x1400  }
0x9a: {  	[sflag:s0] =	ssyncset.done $0x0  }
0x9b: {  	[sflag:s0] =	ssyncadd.s32 $0xFFFFEC00  }
0x9c: {  	_ =	swait.ge [sflag:s0], $0x1400  }
0x9d: {  	[sflag:s0] =	ssyncset.done $0x0  }
0x9e: {  	[sflag:s0] =	ssyncadd.s32 $0xFFFFEC00  }
0x9f: {  	_ =	swait.ge [sflag:s0], $0x1400  }
0xa0: {  	[sflag:s0] =	ssyncset.done $0x0  }
0xa1: {  	s15 =	sadd.s32 $0xC8, s8;
	s14 =	simm.s32 $0x3200;
	[sflag:s0] =	ssyncadd.s32 $0xFFFFEC00  }
0xa2: {  	s7 =	smov.u32 s16;
	s13 =	simm.s32 $0x0;
	_ =	swait.ge [sflag:s0], $0x1400  }
.LBB2_2:
0xa3: {  	[sflag:s0] =	ssyncset.done $0x0  }
0xa4: {  	[sflag:s0] =	ssyncadd.s32 $0xFFFFEC00  }
0xa5: {  	_ =	swait.ge [sflag:s0], $0x1400  }
0xa6: {  	[sflag:s0] =	ssyncset.done $0x0  }
0xa7: {  	[sflag:s0] =	ssyncadd.s32 $0xFFFFEC00  }
0xa8: {  	s17 =	smov.u32 s14;
	_ =	swait.ge [sflag:s0], $0x1400  }
0xa9: {  	p1 =	seq.s32 s17, $0x0;
	[sflag:s0] =	ssyncset.done $0x0;
	s18 =	rddreg [dreg:$0x3]  }
0xaa: {  	s19 =	simm.s32 @!p1 $0x2;
	[sflag:s0] =	ssyncadd.s32 $0xFFFFEC00;
	s18 =	sadd.s32 s13, s18  }
0xab: {  	[hbm4b:s18+s3] =	stream.linear.scatter [tilespmem:s31], [sflag:$0x2], $0xC800, $0x38;
	[tilespmem:$0x19640] =	vst v63  }
0xac: {  	_ =	swait.ge @!p1 [sflag:s19], $0xC800  }
0xad: {  	[sflag:s19] =	ssyncset.done @!p1 $0x0  }
0xae: {  	[sflag:s19] =	ssyncadd.s32 @!p1 $0xFFFF3800  }
0xaf: {  	[tilespmem:s30], [sflag:$0x3] =	stream.linear.gather [hbm4b:s15+s3], $0x320, $0x38;
	[tilespmem:$0x19640] =	vst v63  }
0xb0: {  	_ =	swait.ge [sflag:s9], $0x320  }
0xb1: {  	s13 =	smov.u32 s17;
	s17 =	rddreg [dreg:$0x16]  }
0xb2: {  	s18 =	rddreg [dreg:$0x14]  }
0xb3: {  	s19 =	rddreg [dreg:$0x12]  }
0xb4: {  	s20 =	rddreg [dreg:$0x10]  }
0xb5: {  	s21 =	rddreg [dreg:$0xe]  }
0xb6: {  	s22 =	rddreg [dreg:$0xc]  }
0xb7: {  	s23 =	rddreg [dreg:$0x9]  }
0xb8: {  	[sflag:s9] =	ssyncset.done $0x0;
	s24 =	rddreg [dreg:$0x7]  }
0xb9: {  	s25 =	rddreg [dreg:$0x5];
	[sflag:s9] =	ssyncadd.s32 $0xFFFFFCE0  }
0xba: {  	[tilespmem:s31], [sflag:$0x1] =	stream.indirect.gather [hbm4b:s4+s10], $0x40, s30, s10, $0xb8;
	[tilespmem:$0x19640] =	vst v63  }
0xbb: {  	s26 =	rddreg [dreg:$0x6]  }
0xbc: {  	[tilespmem:s26], [sflag:$0x1] =	stream.indirect.gather [hbm4b:s4+s10], $0x40, s25, s10, $0xb8;
	[tilespmem:$0x19640] =	vst v63  }
0xbd: {  	s28 =	rddreg [dreg:$0x8]  }
0xbe: {  	[tilespmem:s28], [sflag:$0x1] =	stream.indirect.gather [hbm4b:s4+s10], $0x40, s24, s10, $0xb8;
	[tilespmem:$0x19640] =	vst v63  }
0xbf: {  	s26 =	rddreg [dreg:$0xa]  }
0xc0: {  	[tilespmem:s26], [sflag:$0x1] =	stream.indirect.gather [hbm4b:s4+s10], $0x40, s23, s10, $0xb8;
	[tilespmem:$0x19640] =	vst v63  }
0xc1: {  	s28 =	rddreg [dreg:$0xb]  }
0xc2: {  	[tilespmem:s22], [sflag:$0x1] =	stream.indirect.gather [hbm4b:s4+s10], $0x40, s28, s10, $0xb8;
	[tilespmem:$0x19640] =	vst v63  }
0xc3: {  	s26 =	rddreg [dreg:$0xd]  }
0xc4: {  	[tilespmem:s21], [sflag:$0x1] =	stream.indirect.gather [hbm4b:s4+s10], $0x40, s26, s10, $0xb8;
	[tilespmem:$0x19640] =	vst v63  }
0xc5: {  	s28 =	rddreg [dreg:$0xf]  }
0xc6: {  	[tilespmem:s20], [sflag:$0x1] =	stream.indirect.gather [hbm4b:s4+s10], $0x40, s28, s10, $0xb8;
	[tilespmem:$0x19640] =	vst v63  }
0xc7: {  	s24 =	rddreg [dreg:$0x11]  }
0xc8: {  	[tilespmem:s19], [sflag:$0x1] =	stream.indirect.gather [hbm4b:s4+s10], $0x40, s24, s10, $0xb8;
	[tilespmem:$0x19640] =	vst v63  }
0xc9: {  	s25 =	rddreg [dreg:$0x13]  }
0xca: {  	[tilespmem:s18], [sflag:$0x1] =	stream.indirect.gather [hbm4b:s4+s10], $0x40, s25, s10, $0xb8;
	[tilespmem:$0x19640] =	vst v63  }
0xcb: {  	s26 =	rddreg [dreg:$0x15]  }
0xcc: {  	[tilespmem:s17], [sflag:$0x1] =	stream.indirect.gather [hbm4b:s4+s10], $0x40, s26, s10, $0xb8;
	[tilespmem:$0x19640] =	vst v63  }
0xcd: {  	_ =	swait.ge [sflag:s0], $0x1400  }
0xce: {  	[sflag:s0] =	ssyncset.done $0x0  }
0xcf: {  	[sflag:s0] =	ssyncadd.s32 $0xFFFFEC00  }
0xd0: {  	_ =	swait.ge [sflag:s0], $0x1400  }
0xd1: {  	[sflag:s0] =	ssyncset.done $0x0  }
0xd2: {  	[sflag:s0] =	ssyncadd.s32 $0xFFFFEC00  }
0xd3: {  	_ =	swait.ge [sflag:s0], $0x1400  }
0xd4: {  	[sflag:s0] =	ssyncset.done $0x0  }
0xd5: {  	[sflag:s0] =	ssyncadd.s32 $0xFFFFEC00  }
0xd6: {  	_ =	swait.ge [sflag:s0], $0x1400  }
0xd7: {  	[sflag:s0] =	ssyncset.done $0x0  }
0xd8: {  	[sflag:s0] =	ssyncadd.s32 $0xFFFFEC00  }
0xd9: {  	_ =	swait.ge [sflag:s0], $0x1400  }
0xda: {  	[sflag:s0] =	ssyncset.done $0x0  }
0xdb: {  	[sflag:s0] =	ssyncadd.s32 $0xFFFFEC00  }
0xdc: {  	_ =	swait.ge [sflag:s0], $0x1400  }
0xdd: {  	[sflag:s0] =	ssyncset.done $0x0  }
0xde: {  	[sflag:s0] =	ssyncadd.s32 $0xFFFFEC00  }
0xdf: {  	_ =	swait.ge [sflag:s0], $0x1400  }
0xe0: {  	[sflag:s0] =	ssyncset.done $0x0  }
0xe1: {  	[sflag:s0] =	ssyncadd.s32 $0xFFFFEC00  }
0xe2: {  	_ =	swait.ge [sflag:s0], $0x1400  }
0xe3: {  	[sflag:s0] =	ssyncset.done $0x0  }
0xe4: {  	[sflag:s0] =	ssyncadd.s32 $0xFFFFEC00  }
0xe5: {  	_ =	swait.ge [sflag:s0], $0x1400  }
0xe6: {  	[sflag:s0] =	ssyncset.done $0x0  }
0xe7: {  	[sflag:s0] =	ssyncadd.s32 $0xFFFFEC00  }
0xe8: {  	_ =	swait.ge [sflag:s0], $0x1400  }
0xe9: {  	p1 =	seq.s32 s13, $0x2EE00;
	s28 =	rddreg [dreg:$0x4];
	[sflag:s0] =	ssyncset.done $0x0  }
0xea: {  	s18 =	simm.s32 @!p1 $0x2;
	[sflag:s0] =	ssyncadd.s32 $0xFFFFEC00;
	s17 =	sadd.s32 s13, s28  }
0xeb: {  	[hbm4b:s17+s3] =	stream.linear.scatter [tilespmem:s11], [sflag:$0x2], $0xC800, $0x38;
	[tilespmem:$0x19640] =	vst v63  }
0xec: {  	s7 =	sadd.s32 $0x640, s7;
	_ =	swait.ge @!p1 [sflag:s18], $0xC800  }
0xed: {  	s20 =	simm.s32 @!p1 $0x3;
	s19 =	sshrl.u32 @!p1 s7, $0x3;
	[sflag:s18] =	ssyncset.done @!p1 $0x0  }
0xee: {  	s19 =	sadd.s32 @!p1 s1, s19;
	s17 =	simm.s32 @!p1 $0x0;
	[sflag:s18] =	ssyncadd.s32 @!p1 $0xFFFF3800  }
0xef: {  	[tilespmem:s17], [sflag:$0x3] =	stream.linear.gather @!p1 [hbm4b:s19+s17], $0x320, $0x38;
	[tilespmem:$0x19640] =	vst v63  }
0xf0: {  	_ =	swait.ge @!p1 [sflag:s20], $0x320  }
0xf1: {  	[sflag:s20] =	ssyncset.done @!p1 $0x0  }
0xf2: {  	s18 =	simm.s32 @!p1 $0x50;
	s19 =	simm.s32 @!p1 $0x640;
	[sflag:s20] =	ssyncadd.s32 @!p1 $0xFFFFFCE0  }
0xf3: {  	[tilespmem:s19], [sflag:$0x1] =	stream.indirect.gather @!p1 [hbm4b:s4+s18], $0x40, s17, s18, $0xb8;
	[tilespmem:$0x19640] =	vst v63  }
0xf4: {  	s21 =	simm.s32 @!p1 $0x1A40  }
0xf5: {  	[tilespmem:s21], [sflag:$0x1] =	stream.indirect.gather @!p1 [hbm4b:s4+s18], $0x40, s18, s18, $0xb8;
	[tilespmem:$0x19640] =	vst v63  }
0xf6: {  	s17 =	simm.s32 @!p1 $0xA0;
	s19 =	simm.s32 @!p1 $0x2E40  }
0xf7: {  	[tilespmem:s19], [sflag:$0x1] =	stream.indirect.gather @!p1 [hbm4b:s4+s18], $0x40, s17, s18, $0xb8;
	[tilespmem:$0x19640] =	vst v63  }
0xf8: {  	s17 =	simm.s32 @!p1 $0xF0;
	s19 =	simm.s32 @!p1 $0x4240  }
0xf9: {  	[tilespmem:s19], [sflag:$0x1] =	stream.indirect.gather @!p1 [hbm4b:s4+s18], $0x40, s17, s18, $0xb8;
	[tilespmem:$0x19640] =	vst v63  }
0xfa: {  	s17 =	simm.s32 @!p1 $0x140;
	s19 =	simm.s32 @!p1 $0x5640  }
0xfb: {  	[tilespmem:s19], [sflag:$0x1] =	stream.indirect.gather @!p1 [hbm4b:s4+s18], $0x40, s17, s18, $0xb8;
	[tilespmem:$0x19640] =	vst v63  }
0xfc: {  	s17 =	simm.s32 @!p1 $0x190;
	s19 =	simm.s32 @!p1 $0x6A40  }
0xfd: {  	[tilespmem:s19], [sflag:$0x1] =	stream.indirect.gather @!p1 [hbm4b:s4+s18], $0x40, s17, s18, $0xb8;
	[tilespmem:$0x19640] =	vst v63  }
0xfe: {  	s17 =	simm.s32 @!p1 $0x1E0;
	s19 =	simm.s32 @!p1 $0x7E40  }
0xff: {  	[tilespmem:s19], [sflag:$0x1] =	stream.indirect.gather @!p1 [hbm4b:s4+s18], $0x40, s17, s18, $0xb8;
	[tilespmem:$0x19640] =	vst v63  }
0x100: {  	s17 =	simm.s32 @!p1 $0x230;
	s19 =	simm.s32 @!p1 $0x9240  }
0x101: {  	[tilespmem:s19], [sflag:$0x1] =	stream.indirect.gather @!p1 [hbm4b:s4+s18], $0x40, s17, s18, $0xb8;
	[tilespmem:$0x19640] =	vst v63  }
0x102: {  	s17 =	simm.s32 @!p1 $0x280;
	s19 =	simm.s32 @!p1 $0xA640  }
0x103: {  	[tilespmem:s19], [sflag:$0x1] =	stream.indirect.gather @!p1 [hbm4b:s4+s18], $0x40, s17, s18, $0xb8;
	[tilespmem:$0x19640] =	vst v63  }
0x104: {  	s17 =	simm.s32 @!p1 $0x2D0;
	s19 =	simm.s32 @!p1 $0xBA40  }
0x105: {  	[tilespmem:s19], [sflag:$0x1] =	stream.indirect.gather @!p1 [hbm4b:s4+s18], $0x40, s17, s18, $0xb8;
	[tilespmem:$0x19640] =	vst v63  }
0x106: {  	_ =	swait.ge [sflag:s0], $0x1400  }
0x107: {  	[sflag:s0] =	ssyncset.done $0x0  }
0x108: {  	[sflag:s0] =	ssyncadd.s32 $0xFFFFEC00  }
0x109: {  	_ =	swait.ge [sflag:s0], $0x1400  }
0x10a: {  	[sflag:s0] =	ssyncset.done $0x0  }
0x10b: {  	[sflag:s0] =	ssyncadd.s32 $0xFFFFEC00  }
0x10c: {  	_ =	swait.ge [sflag:s0], $0x1400  }
0x10d: {  	[sflag:s0] =	ssyncset.done $0x0  }
0x10e: {  	[sflag:s0] =	ssyncadd.s32 $0xFFFFEC00  }
0x10f: {  	_ =	swait.ge [sflag:s0], $0x1400  }
0x110: {  	[sflag:s0] =	ssyncset.done $0x0  }
0x111: {  	[sflag:s0] =	ssyncadd.s32 $0xFFFFEC00  }
0x112: {  	_ =	swait.ge [sflag:s0], $0x1400  }
0x113: {  	[sflag:s0] =	ssyncset.done $0x0  }
0x114: {  	[sflag:s0] =	ssyncadd.s32 $0xFFFFEC00  }
0x115: {  	s14 =	sadd.s32 $0x3200, s14;
	_ =	swait.ge [sflag:s0], $0x1400  }
0x116: {  	p0 =	sne.s32 s14, $0x32000;
	[sflag:s0] =	ssyncset.done $0x0  }
.Ltmp0:
0x117: {  	[sflag:s0] =	ssyncadd.s32 $0xFFFFEC00;
	(pc) =	sbr.rel @p0 .LBB2_2-.Ltmp0, $4  }
0x118: {  	_ =	swait.ge [sflag:s0], $0x1400  }
0x119: {  	[sflag:s0] =	ssyncset.done $0x0  }
0x11a: {  	[sflag:s0] =	ssyncadd.s32 $0xFFFFEC00  }
0x11b: {  	s15 =	sadd.s32 $0xC8, s15;
	_ =	swait.ge [sflag:s0], $0x1400  }
0x11c: {  	[sflag:s0] =	ssyncset.done $0x0  }
0x11d: {  	[sflag:s0] =	ssyncadd.s32 $0xFFFFEC00  }
0x11e: {  	_ =	swait.ge [sflag:s0], $0x1400  }
0x11f: {  	[sflag:s0] =	ssyncset.done $0x0  }
0x120: {  	[sflag:s0] =	ssyncadd.s32 $0xFFFFEC00  }
0x121: {  	_ =	swait.ge [sflag:s0], $0x1400  }
0x122: {  	s7 =	rddreg [dreg:$0x3];
	[sflag:s0] =	ssyncset.done $0x0  }
0x123: {  	s12 =	sadd.s32 $0x1, s12;
	[sflag:s0] =	ssyncadd.s32 $0xFFFFEC00;
	s7 =	sadd.s32 s13, s7  }
0x124: {  	[hbm4b:s7+s3] =	stream.linear.scatter [tilespmem:s31], [sflag:$0x2], $0xC800, $0x38;
	[tilespmem:$0x19640] =	vst v63  }
0x125: {  	p0 =	sne.s32 s12, s6;
	_ =	swait.ge [sflag:s2], $0xC800  }
.Ltmp1:
0x126: {  	[sflag:s2] =	ssyncset.done $0x0;
	(pc) =	sbr.rel @p0 .LBB2_1-.Ltmp1, $4  }
0x127: {  	[sflag:s2] =	ssyncadd.s32 $0xFFFF3800  }
0x128: {  	_ =	swait.ge [sflag:s2], $0xC800  }
0x129: {  	[sflag:s2] =	ssyncset.done $0x0  }
0x12a: {  	[sflag:s2] =	ssyncadd.s32 $0xFFFF3800  }
0x12b: {  	_ =	sfence.sel $0x180000  }
0x12c: {  	[bflag:$0x0] =	sbarrier.arrive $0xFFFF  }
0x12d: {  	_ =	strace $0x90000047  }
0x12e: {  	s0 =	stileid.u32;
	[bflag:$0x2] =	sbarrier.arrive $0xFFFF  }
0x12f: {  	p0 =	sne.s32 s0, $0x0;
	s0 =	rddreg [dreg:$0x2]  }
0x130: {  	s0 =	sadd.s32 @!p0 $0x100000, s0  }
0x131: {  	[sflag:s0] =	ssyncadd.tile.s32 @!p0 $0x1;
	_ =	shalt  }
.Lfunc_end2:
_tile_overlayer_lowered:
.L_overlay_start_2:
0x132: {  	(tag) =	ssettag $0x2  }
0x133: {  	s0 =	rddreg [dreg:$0x0];
	s2 =	stileid.u32  }
0x134: {  	s1 =	rddreg [dreg:$0x1];
	p0 =	sne.s32 s2, $0x0  }
0x135: {  	s3 =	rddreg [dreg:$0x2];
	[bflag:$0x3] =	sbarrier.arrive $0xFFFF;
	s2 =	simm.s32 @!p0 $0x1C03  }
0x136: {  	[timem:s3], [sflag:s2] =	dma.local @!p0 [hbm:s0], s1  }
0x137: {  	s0 =	simm.s32 @!p0 $0x3  }
0x138: {  	_ =	swait.ge @!p0 [sflag:s0], s1  }
0x139: {  	s1 =	ssub.s32 @!p0 $0x0, s1;
	[sflag:s0] =	ssyncset.done @!p0 $0x0  }
0x13a: {  	[sflag:s0] =	ssyncadd.s32 @!p0 s1  }
0x13b: {  	[bflag:$0x3] =	sbarrier.arrive $0xFFFF  }
0x13c: {  	_ =	shalt  }

</sc_bundles>
